<compile_context>
chip_gen: v7x
topology: tpu7x:2x2x1
jax: 0.10.2.dev20260603
libtpu: 0.0.44.dev20260713+nightly
codegen_flags: <defaults>
</compile_context>

<pallas_src>
import functools

import jax
import jax.numpy as jnp
from jax import lax
from jax.experimental import pallas as pl
from jax.experimental.pallas import tpu as pltpu
from jax.experimental.pallas import tpu_sc as plsc

N = 1000
NP = 1024
E = 16000
NW = 32
PER = 512
EP = NW * PER
TILE_WORDS = (NP * NP) // 16
ZB = TILE_WORDS // 2


def _sc_build_a0(src_p, dst_p, w_p):
    mesh = plsc.VectorSubcoreMesh(core_axis_name="c", subcore_axis_name="s")

    @functools.partial(
        pl.kernel,
        mesh=mesh,
        out_type=jax.ShapeDtypeStruct((2, 16, TILE_WORDS), jnp.float32),
        scratch_types=[
            pltpu.VMEM((PER,), jnp.int32),
            pltpu.VMEM((PER,), jnp.int32),
            pltpu.VMEM((PER,), jnp.float32),
            pltpu.VMEM((PER // 128, 128), jnp.int32),
            pltpu.VMEM((ZB,), jnp.float32),
            pltpu.VMEM_SHARED((NP * NP,), jnp.float32),
            pltpu.SemaphoreType.DMA,
        ],
    )
    def build(src_hbm, dst_hbm, w_hbm, out_hbm, src_v, dst_v, w_v, idx2d, z_v, acc, sem):
        c = lax.axis_index("c")
        s = lax.axis_index("s")
        wid = c * 16 + s
        base = wid * PER
        ld_src = pltpu.async_copy(src_hbm.at[pl.ds(base, PER)], src_v, sem)
        ld_dst = pltpu.async_copy(dst_hbm.at[pl.ds(base, PER)], dst_v, sem)
        ld_w = pltpu.async_copy(w_hbm.at[pl.ds(base, PER)], w_v, sem)

        def zero_body(i, carry):
            z_v[pl.ds(i * 16, 16)] = jnp.zeros((16,), jnp.float32)
            return carry

        lax.fori_loop(0, ZB // 16, zero_body, 0)
        ld_src.wait()
        ld_dst.wait()
        ld_w.wait()
        for k in range(TILE_WORDS // ZB):
            pltpu.sync_copy(z_v, acc.at[pl.ds(s * TILE_WORDS + k * ZB, ZB)])

        for j in range(PER // 16):
            v = dst_v[pl.ds(j * 16, 16)] * NP + src_v[pl.ds(j * 16, 16)]
            idx2d[j // 8, pl.ds((j % 8) * 16, 16)] = v

        plsc.subcore_barrier()
        for j in range(PER // 128):
            pltpu.sync_copy(
                w_v.at[pl.ds(j * 128, 128)], acc.at[idx2d.at[j]], add=True
            )
        plsc.subcore_barrier()

        for k in range(TILE_WORDS // ZB):
            pltpu.sync_copy(acc.at[pl.ds(s * TILE_WORDS + k * ZB, ZB)], z_v)
            pltpu.sync_copy(z_v, out_hbm.at[c, s, pl.ds(k * ZB, ZB)])

    return build(src_p, dst_p, w_p)


NR = N // 4
MR = 4 * 256


def _prep_body(a0_ref, a_ref):
    raw = a0_ref[0] + a0_ref[1]
    a = raw.reshape(NP, NP)
    acc = a[:N, :N]
    deg = jnp.sum(acc, axis=1) + 1.0
    dinv = lax.rsqrt(deg)
    scale = dinv[:, None] * dinv[None, :]
    r = lax.broadcasted_iota(jnp.int32, (N, N), 0)
    col = lax.broadcasted_iota(jnp.int32, (N, N), 1)
    eye = (r == col).astype(jnp.float32)
    amat = ((acc + eye) * scale).astype(jnp.bfloat16)
    mi = lax.broadcasted_iota(jnp.int32, (MR, N), 0)
    ni = lax.broadcasted_iota(jnp.int32, (MR, N), 1)
    n_of_m = 4 * (mi % 256) + mi // 256
    perm = ((ni == n_of_m) & (mi % 256 < NR)).astype(jnp.bfloat16)
    a_ref[...] = jnp.dot(
        perm, amat, preferred_element_type=jnp.float32
    ).astype(jnp.bfloat16)


TT = 10


def _main_body(x_ref, w_ref, b_ref, gamma_ref, beta_ref, a_ref, o_ref):
    tb = pl.program_id(0)
    wm = w_ref[...]
    xg = jnp.concatenate(
        [x_ref[bb, tt] @ wm for tt in range(TT) for bb in range(2)], axis=1
    )
    y = jnp.dot(
        a_ref[...], xg.astype(jnp.bfloat16), preferred_element_type=jnp.float32
    )
    bv = b_ref[...]
    c = bv.shape[0]
    b128 = jnp.concatenate([bv] * 4)[None, :]
    n = 2.0 * N * c
    for tt in range(TT):
        ps = []
        for bb in range(2):
            col = tt * 2 * c + bb * c
            p = jnp.concatenate(
                [y[r * 256:r * 256 + NR, col:col + c] for r in range(4)], axis=1
            ) + b128
            ps.append(p)
        mean = (jnp.sum(ps[0]) + jnp.sum(ps[1])) / n
        d0 = ps[0] - mean
        d1 = ps[1] - mean
        var = (jnp.sum(d0 * d0) + jnp.sum(d1 * d1)) / n
        t = tb * TT + tt
        sc = lax.rsqrt(var + 1e-5) * gamma_ref[t]
        be = beta_ref[t]
        o_ref[0, tt] = jnp.maximum(d0 * sc + be, 0.0)
        o_ref[1, tt] = jnp.maximum(d1 * sc + be, 0.0)


def kernel(x, edge_index, W, b, gamma, beta):
    B, T, _, _ = x.shape
    pad = EP - E
    src_p = jnp.concatenate([edge_index[0], jnp.zeros((pad,), jnp.int32)])
    dst_p = jnp.concatenate([edge_index[1], jnp.zeros((pad,), jnp.int32)])
    w_p = jnp.concatenate([jnp.ones((E,), jnp.float32), jnp.zeros((pad,), jnp.float32)])
    a0 = _sc_build_a0(src_p, dst_p, w_p)

    a_mat = pl.pallas_call(
        _prep_body,
        out_shape=jax.ShapeDtypeStruct((MR, N), jnp.bfloat16),
    )(a0)

    c_out = W.shape[1]
    out = pl.pallas_call(
        _main_body,
        grid=(T // TT,),
        in_specs=[
            pl.BlockSpec((B, TT, N, W.shape[0]), lambda t: (0, t, 0, 0)),
            pl.BlockSpec((W.shape[0], c_out), lambda t: (0, 0)),
            pl.BlockSpec((c_out,), lambda t: (0,)),
            pl.BlockSpec(memory_space=pltpu.SMEM),
            pl.BlockSpec(memory_space=pltpu.SMEM),
            pl.BlockSpec((MR, N), lambda t: (0, 0)),
        ],
        out_specs=pl.BlockSpec((B, TT, NR, 4 * c_out), lambda t: (0, t, 0, 0)),
        out_shape=jax.ShapeDtypeStruct((B, T, NR, 4 * c_out), jnp.float32),
    )(x, W, b, gamma, beta, a_mat)
    return out.reshape(B, T, N, c_out)

# --- scband reference (transcript-rebuilt; emitter-appended) ---
"""Pipeline reference for scband-gcnmodule-58566174048909 (READ-ONLY COPY).

The authoritative reference and input builder live on the scoring server;
editing this copy changes nothing except your own understanding.
"""

import jax, jax.numpy as jnp
import numpy as np

B, T, N, C_IN, C_OUT, E = 2, 100, 1000, 64, 32, 16000

def setup_inputs(seed: int = 0) -> dict:
    key = jax.random.key(seed)
    k1, k2, k3 = jax.random.split(key, 3)
    x = jax.random.normal(k1, (B, T, N, C_IN), dtype=jnp.float32)
    edge_index = jax.random.randint(k2, (2, E), 0, N, dtype=jnp.int32)
    # GCNConv params (Glorot-ish init), BatchNorm2d(100) affine params
    W = jax.random.normal(k3, (C_IN, C_OUT), dtype=jnp.float32) * (1.0 / np.sqrt(C_IN))
    b = jnp.zeros((C_OUT,), dtype=jnp.float32)
    gamma = jnp.ones((T,), dtype=jnp.float32)
    beta = jnp.zeros((T,), dtype=jnp.float32)
    return {"x": x, "edge_index": edge_index, "W": W, "b": b, "gamma": gamma, "beta": beta}

def reference(x, edge_index, W, b, gamma, beta):
    Bx, Tx, Nx, _ = x.shape
    src = edge_index[0]
    dst = edge_index[1]
    loop = jnp.arange(Nx, dtype=src.dtype)
    src = jnp.concatenate([src, loop])
    dst = jnp.concatenate([dst, loop])
    # gcn_norm: symmetric normalization with self-loops
    deg = jnp.zeros((Nx,), jnp.float32).at[dst].add(1.0)
    dinv = jnp.where(deg > 0, 1.0 / jnp.sqrt(deg), 0.0)
    norm = dinv[src] * dinv[dst]
    # Batch the B*T graphs (same edge structure per graph, as in Batch.from_data_list)
    xg = x.reshape(Bx * Tx, Nx, -1) @ W                      # [G, N, C_OUT]
    msgs = xg[:, src, :] * norm[None, :, None]               # gather + scale
    out = jnp.zeros_like(xg).at[:, dst, :].add(msgs)         # scatter-add
    out = out + b
    out = out.reshape(Bx, Tx, Nx, -1)
    # BatchNorm2d(100) over channel dim = T (training-mode batch stats)
    mean = out.mean(axis=(0, 2, 3), keepdims=True)
    var = out.var(axis=(0, 2, 3), keepdims=True)
    out = (out - mean) / jnp.sqrt(var + 1e-5)
    out = out * gamma.reshape(1, Tx, 1, 1) + beta.reshape(1, Tx, 1, 1)
    # ReLU activation
    out = jnp.maximum(out, 0.0)
    return out

if __name__ == "__main__":
    import jax
    _d = setup_inputs()
    print(jax.jit(kernel)(*tuple(_d.values())))

</pallas_src>

<mosaic_0001>
#map = affine_map<(d0, d1) -> (0)>
#map1 = affine_map<(d0, d1) -> (0, 0, 0)>
module attributes {stable_mosaic.version = 14 : i64} {
  func.func @build(%arg0: i32, %arg1: i32, %arg2: memref<16384xi32, #tpu.memory_space<hbm>>, %arg3: memref<16384xi32, #tpu.memory_space<hbm>>, %arg4: memref<16384xf32, #tpu.memory_space<hbm>>, %arg5: memref<2x16x65536xf32, #tpu.memory_space<hbm>>, %arg6: memref<512xi32, #tpu.memory_space<vmem>>, %arg7: memref<512xi32, #tpu.memory_space<vmem>>, %arg8: memref<512xf32, #tpu.memory_space<vmem>>, %arg9: memref<4x128xi32, #tpu.memory_space<vmem>>, %arg10: memref<32768xf32, #tpu.memory_space<vmem>>, %arg11: memref<1048576xf32, #tpu.memory_space<vmem_shared>>, %arg12: memref<!tpu.dma_semaphore, #tpu.memory_space<semaphore_mem>>) attributes {dimension_semantics = [#tpu.dimension_semantics<core_parallel>, #tpu.dimension_semantics<subcore_parallel>], iteration_bounds = array<i64: 2, 16>, scalar_prefetch = 0 : i64, scratch_operands = 7 : i64, tpu.core_type = #tpu.core_type<sc_vector_subcore>, window_params = [{transform_indices = #map}, {transform_indices = #map}, {transform_indices = #map}, {transform_indices = #map1}]} {
    %mul3A = arith.constant 16 : i32
    %mul3A_0 = arith.muli %arg0, %mul3A : i32
    %add3A = arith.addi %mul3A_0, %arg1 : i32
    %mul3A_1 = arith.constant 512 : i32
    %mul3A_2 = arith.muli %add3A, %mul3A_1 : i32
    %dma_start3A = tpu.memref_slice %arg2[%mul3A_2] : memref<16384xi32, #tpu.memory_space<hbm>> -> memref<512xi32, #tpu.memory_space<hbm>>
    %dma_start3A_3 = tpu.memref_slice %arg2[%mul3A_2] : memref<16384xi32, #tpu.memory_space<hbm>> -> memref<512xi32, #tpu.memory_space<hbm>>
    tpu.enqueue_dma source(%dma_start3A_3 : memref<512xi32, #tpu.memory_space<hbm>>) target(%arg6 : memref<512xi32, #tpu.memory_space<vmem>>) target_semaphore(%arg12 : memref<!tpu.dma_semaphore, #tpu.memory_space<semaphore_mem>>)
    %dma_start3A_4 = tpu.memref_slice %arg3[%mul3A_2] : memref<16384xi32, #tpu.memory_space<hbm>> -> memref<512xi32, #tpu.memory_space<hbm>>
    %dma_start3A_5 = tpu.memref_slice %arg3[%mul3A_2] : memref<16384xi32, #tpu.memory_space<hbm>> -> memref<512xi32, #tpu.memory_space<hbm>>
    tpu.enqueue_dma source(%dma_start3A_5 : memref<512xi32, #tpu.memory_space<hbm>>) target(%arg7 : memref<512xi32, #tpu.memory_space<vmem>>) target_semaphore(%arg12 : memref<!tpu.dma_semaphore, #tpu.memory_space<semaphore_mem>>)
    %dma_start3A_6 = tpu.memref_slice %arg4[%mul3A_2] : memref<16384xf32, #tpu.memory_space<hbm>> -> memref<512xf32, #tpu.memory_space<hbm>>
    %dma_start3A_7 = tpu.memref_slice %arg4[%mul3A_2] : memref<16384xf32, #tpu.memory_space<hbm>> -> memref<512xf32, #tpu.memory_space<hbm>>
    tpu.enqueue_dma source(%dma_start3A_7 : memref<512xf32, #tpu.memory_space<hbm>>) target(%arg8 : memref<512xf32, #tpu.memory_space<vmem>>) target_semaphore(%arg12 : memref<!tpu.dma_semaphore, #tpu.memory_space<semaphore_mem>>)
    %scan3A = arith.constant 0 : i32
    %scan3A_8 = arith.constant 0 : i32
    %scan3A_9 = arith.constant 2048 : i32
    %scan3A_10 = arith.addi %scan3A_8, %scan3A_9 : i32
    %scan3A_11 = arith.constant 1 : i32
    scf.for %scan3A_548 = %scan3A_8 to %scan3A_10 step %scan3A_11  : i32 {
      %broadcast_in_dim3A = arith.constant 0.000000e+00 : f32
      %broadcast_in_dim3A_549 = vector.broadcast %broadcast_in_dim3A : f32 to vector<16xf32>
      %mul3A_550 = arith.constant 16 : i32
      %mul3A_551 = arith.muli %scan3A_548, %mul3A_550 : i32
      %swap3A_552 = arith.index_cast %mul3A_551 : i32 to index
      %swap3A_553 = tpu.vector_load %arg10[%swap3A_552] {strides = array<i32>} : memref<32768xf32, #tpu.memory_space<vmem>>, vector<16xf32>,
      %swap3A_554 = vector.shape_cast %swap3A_553 : vector<16xf32> to vector<16xf32>
      %swap3A_555 = vector.shape_cast %broadcast_in_dim3A_549 : vector<16xf32> to vector<16xf32>
      tpu.vector_store %arg10[%swap3A_552], %swap3A_555 {strides = array<i32>} : memref<32768xf32, #tpu.memory_space<vmem>>, vector<16xf32>,
    }
    %scan3A_12 = arith.constant 2048 : i32
    %dma_wait3A = tpu.memref_slice %arg2[%mul3A_2] : memref<16384xi32, #tpu.memory_space<hbm>> -> memref<512xi32, #tpu.memory_space<hbm>>
    %dma_wait3A_13 = tpu.memref_slice %arg2[%mul3A_2] : memref<16384xi32, #tpu.memory_space<hbm>> -> memref<512xi32, #tpu.memory_space<hbm>>
    tpu.wait_dma2 semaphore(%arg12 : memref<!tpu.dma_semaphore, #tpu.memory_space<semaphore_mem>>) src(%dma_wait3A_13 : memref<512xi32, #tpu.memory_space<hbm>>) dst(%arg6 : memref<512xi32, #tpu.memory_space<vmem>>)
    %dma_wait3A_14 = tpu.memref_slice %arg3[%mul3A_2] : memref<16384xi32, #tpu.memory_space<hbm>> -> memref<512xi32, #tpu.memory_space<hbm>>
    %dma_wait3A_15 = tpu.memref_slice %arg3[%mul3A_2] : memref<16384xi32, #tpu.memory_space<hbm>> -> memref<512xi32, #tpu.memory_space<hbm>>
    tpu.wait_dma2 semaphore(%arg12 : memref<!tpu.dma_semaphore, #tpu.memory_space<semaphore_mem>>) src(%dma_wait3A_15 : memref<512xi32, #tpu.memory_space<hbm>>) dst(%arg7 : memref<512xi32, #tpu.memory_space<vmem>>)
    %dma_wait3A_16 = tpu.memref_slice %arg4[%mul3A_2] : memref<16384xf32, #tpu.memory_space<hbm>> -> memref<512xf32, #tpu.memory_space<hbm>>
    %dma_wait3A_17 = tpu.memref_slice %arg4[%mul3A_2] : memref<16384xf32, #tpu.memory_space<hbm>> -> memref<512xf32, #tpu.memory_space<hbm>>
    tpu.wait_dma2 semaphore(%arg12 : memref<!tpu.dma_semaphore, #tpu.memory_space<semaphore_mem>>) src(%dma_wait3A_17 : memref<512xf32, #tpu.memory_space<hbm>>) dst(%arg8 : memref<512xf32, #tpu.memory_space<vmem>>)
    %mul3A_18 = arith.constant 65536 : i32
    %mul3A_19 = arith.muli %arg1, %mul3A_18 : i32
    %add3A_20 = arith.constant 0 : i32
    %add3A_21 = arith.addi %mul3A_19, %add3A_20 : i32
    "tpu.region"() ({
      %run_scoped3A_548 = tpu.sem_alloc : memref<!tpu.dma_semaphore, #tpu.memory_space<semaphore_mem>>
      %dma_start3A_549 = tpu.memref_slice %arg11[%add3A_21] : memref<1048576xf32, #tpu.memory_space<vmem_shared>> -> memref<32768xf32, #tpu.memory_space<vmem_shared>>
      %dma_start3A_550 = tpu.memref_slice %arg11[%add3A_21] : memref<1048576xf32, #tpu.memory_space<vmem_shared>> -> memref<32768xf32, #tpu.memory_space<vmem_shared>>
      tpu.enqueue_dma source(%arg10 : memref<32768xf32, #tpu.memory_space<vmem>>) target(%dma_start3A_550 : memref<32768xf32, #tpu.memory_space<vmem_shared>>) target_semaphore(%run_scoped3A_548 : memref<!tpu.dma_semaphore, #tpu.memory_space<semaphore_mem>>)
      %dma_wait3A_551 = tpu.memref_slice %arg11[%add3A_21] : memref<1048576xf32, #tpu.memory_space<vmem_shared>> -> memref<32768xf32, #tpu.memory_space<vmem_shared>>
      %dma_wait3A_552 = tpu.memref_slice %arg11[%add3A_21] : memref<1048576xf32, #tpu.memory_space<vmem_shared>> -> memref<32768xf32, #tpu.memory_space<vmem_shared>>
      tpu.wait_dma2 semaphore(%run_scoped3A_548 : memref<!tpu.dma_semaphore, #tpu.memory_space<semaphore_mem>>) src(%arg10 : memref<32768xf32, #tpu.memory_space<vmem>>) dst(%dma_wait3A_552 : memref<32768xf32, #tpu.memory_space<vmem_shared>>)
      tpu.yield
    }) : () -> ()
    %mul3A_22 = arith.constant 65536 : i32
    %mul3A_23 = arith.muli %arg1, %mul3A_22 : i32
    %add3A_24 = arith.constant 32768 : i32
    %add3A_25 = arith.addi %mul3A_23, %add3A_24 : i32
    "tpu.region"() ({
      %run_scoped3A_548 = tpu.sem_alloc : memref<!tpu.dma_semaphore, #tpu.memory_space<semaphore_mem>>
      %dma_start3A_549 = tpu.memref_slice %arg11[%add3A_25] : memref<1048576xf32, #tpu.memory_space<vmem_shared>> -> memref<32768xf32, #tpu.memory_space<vmem_shared>>
      %dma_start3A_550 = tpu.memref_slice %arg11[%add3A_25] : memref<1048576xf32, #tpu.memory_space<vmem_shared>> -> memref<32768xf32, #tpu.memory_space<vmem_shared>>
      tpu.enqueue_dma source(%arg10 : memref<32768xf32, #tpu.memory_space<vmem>>) target(%dma_start3A_550 : memref<32768xf32, #tpu.memory_space<vmem_shared>>) target_semaphore(%run_scoped3A_548 : memref<!tpu.dma_semaphore, #tpu.memory_space<semaphore_mem>>)
      %dma_wait3A_551 = tpu.memref_slice %arg11[%add3A_25] : memref<1048576xf32, #tpu.memory_space<vmem_shared>> -> memref<32768xf32, #tpu.memory_space<vmem_shared>>
      %dma_wait3A_552 = tpu.memref_slice %arg11[%add3A_25] : memref<1048576xf32, #tpu.memory_space<vmem_shared>> -> memref<32768xf32, #tpu.memory_space<vmem_shared>>
      tpu.wait_dma2 semaphore(%run_scoped3A_548 : memref<!tpu.dma_semaphore, #tpu.memory_space<semaphore_mem>>) src(%arg10 : memref<32768xf32, #tpu.memory_space<vmem>>) dst(%dma_wait3A_552 : memref<32768xf32, #tpu.memory_space<vmem_shared>>)
      tpu.yield
    }) : () -> ()
    %get3A = arith.constant 0 : index
    %get3A_26 = tpu.vector_load %arg7[%get3A] {strides = array<i32>} : memref<512xi32, #tpu.memory_space<vmem>>, vector<16xi32>,
    %get3A_27 = vector.shape_cast %get3A_26 : vector<16xi32> to vector<16xi32>
    %mul3A_28 = arith.constant 1024 : i32
    %mul3A_29 = vector.broadcast %mul3A_28 : i32 to vector<16xi32>
    %mul3A_30 = arith.muli %get3A_27, %mul3A_29 : vector<16xi32>
    %get3A_31 = arith.constant 0 : index
    %get3A_32 = tpu.vector_load %arg6[%get3A_31] {strides = array<i32>} : memref<512xi32, #tpu.memory_space<vmem>>, vector<16xi32>,
    %get3A_33 = vector.shape_cast %get3A_32 : vector<16xi32> to vector<16xi32>
    %add3A_34 = arith.addi %mul3A_30, %get3A_33 : vector<16xi32>
    %swap3A = arith.constant 0 : i32
    %swap3A_35 = arith.index_cast %swap3A : i32 to index
    %swap3A_36 = arith.constant 0 : index
    %swap3A_37 = tpu.vector_load %arg9[%swap3A_35, %swap3A_36] {strides = array<i32>} : memref<4x128xi32, #tpu.memory_space<vmem>>, vector<1x16xi32>,
    %swap3A_38 = vector.shape_cast %swap3A_37 : vector<1x16xi32> to vector<16xi32>
    %swap3A_39 = vector.shape_cast %add3A_34 : vector<16xi32> to vector<1x16xi32>
    tpu.vector_store %arg9[%swap3A_35, %swap3A_36], %swap3A_39 {strides = array<i32>} : memref<4x128xi32, #tpu.memory_space<vmem>>, vector<1x16xi32>,
    %get3A_40 = arith.constant 16 : index
    %get3A_41 = tpu.vector_load %arg7[%get3A_40] {strides = array<i32>} : memref<512xi32, #tpu.memory_space<vmem>>, vector<16xi32>,
    %get3A_42 = vector.shape_cast %get3A_41 : vector<16xi32> to vector<16xi32>
    %mul3A_43 = arith.constant 1024 : i32
    %mul3A_44 = vector.broadcast %mul3A_43 : i32 to vector<16xi32>
    %mul3A_45 = arith.muli %get3A_42, %mul3A_44 : vector<16xi32>
    %get3A_46 = arith.constant 16 : index
    %get3A_47 = tpu.vector_load %arg6[%get3A_46] {strides = array<i32>} : memref<512xi32, #tpu.memory_space<vmem>>, vector<16xi32>,
    %get3A_48 = vector.shape_cast %get3A_47 : vector<16xi32> to vector<16xi32>
    %add3A_49 = arith.addi %mul3A_45, %get3A_48 : vector<16xi32>
    %swap3A_50 = arith.constant 0 : i32
    %swap3A_51 = arith.index_cast %swap3A_50 : i32 to index
    %swap3A_52 = arith.constant 16 : index
    %swap3A_53 = tpu.vector_load %arg9[%swap3A_51, %swap3A_52] {strides = array<i32>} : memref<4x128xi32, #tpu.memory_space<vmem>>, vector<1x16xi32>,
    %swap3A_54 = vector.shape_cast %swap3A_53 : vector<1x16xi32> to vector<16xi32>
    %swap3A_55 = vector.shape_cast %add3A_49 : vector<16xi32> to vector<1x16xi32>
    tpu.vector_store %arg9[%swap3A_51, %swap3A_52], %swap3A_55 {strides = array<i32>} : memref<4x128xi32, #tpu.memory_space<vmem>>, vector<1x16xi32>,
    %get3A_56 = arith.constant 32 : index
    %get3A_57 = tpu.vector_load %arg7[%get3A_56] {strides = array<i32>} : memref<512xi32, #tpu.memory_space<vmem>>, vector<16xi32>,
    %get3A_58 = vector.shape_cast %get3A_57 : vector<16xi32> to vector<16xi32>
    %mul3A_59 = arith.constant 1024 : i32
    %mul3A_60 = vector.broadcast %mul3A_59 : i32 to vector<16xi32>
    %mul3A_61 = arith.muli %get3A_58, %mul3A_60 : vector<16xi32>
    %get3A_62 = arith.constant 32 : index
    %get3A_63 = tpu.vector_load %arg6[%get3A_62] {strides = array<i32>} : memref<512xi32, #tpu.memory_space<vmem>>, vector<16xi32>,
    %get3A_64 = vector.shape_cast %get3A_63 : vector<16xi32> to vector<16xi32>
    %add3A_65 = arith.addi %mul3A_61, %get3A_64 : vector<16xi32>
    %swap3A_66 = arith.constant 0 : i32
    %swap3A_67 = arith.index_cast %swap3A_66 : i32 to index
    %swap3A_68 = arith.constant 32 : index
    %swap3A_69 = tpu.vector_load %arg9[%swap3A_67, %swap3A_68] {strides = array<i32>} : memref<4x128xi32, #tpu.memory_space<vmem>>, vector<1x16xi32>,
    %swap3A_70 = vector.shape_cast %swap3A_69 : vector<1x16xi32> to vector<16xi32>
    %swap3A_71 = vector.shape_cast %add3A_65 : vector<16xi32> to vector<1x16xi32>
    tpu.vector_store %arg9[%swap3A_67, %swap3A_68], %swap3A_71 {strides = array<i32>} : memref<4x128xi32, #tpu.memory_space<vmem>>, vector<1x16xi32>,
    %get3A_72 = arith.constant 48 : index
    %get3A_73 = tpu.vector_load %arg7[%get3A_72] {strides = array<i32>} : memref<512xi32, #tpu.memory_space<vmem>>, vector<16xi32>,
    %get3A_74 = vector.shape_cast %get3A_73 : vector<16xi32> to vector<16xi32>
    %mul3A_75 = arith.constant 1024 : i32
    %mul3A_76 = vector.broadcast %mul3A_75 : i32 to vector<16xi32>
    %mul3A_77 = arith.muli %get3A_74, %mul3A_76 : vector<16xi32>
    %get3A_78 = arith.constant 48 : index
    %get3A_79 = tpu.vector_load %arg6[%get3A_78] {strides = array<i32>} : memref<512xi32, #tpu.memory_space<vmem>>, vector<16xi32>,
    %get3A_80 = vector.shape_cast %get3A_79 : vector<16xi32> to vector<16xi32>
    %add3A_81 = arith.addi %mul3A_77, %get3A_80 : vector<16xi32>
    %swap3A_82 = arith.constant 0 : i32
    %swap3A_83 = arith.index_cast %swap3A_82 : i32 to index
    %swap3A_84 = arith.constant 48 : index
    %swap3A_85 = tpu.vector_load %arg9[%swap3A_83, %swap3A_84] {strides = array<i32>} : memref<4x128xi32, #tpu.memory_space<vmem>>, vector<1x16xi32>,
    %swap3A_86 = vector.shape_cast %swap3A_85 : vector<1x16xi32> to vector<16xi32>
    %swap3A_87 = vector.shape_cast %add3A_81 : vector<16xi32> to vector<1x16xi32>
    tpu.vector_store %arg9[%swap3A_83, %swap3A_84], %swap3A_87 {strides = array<i32>} : memref<4x128xi32, #tpu.memory_space<vmem>>, vector<1x16xi32>,
    %get3A_88 = arith.constant 64 : index
    %get3A_89 = tpu.vector_load %arg7[%get3A_88] {strides = array<i32>} : memref<512xi32, #tpu.memory_space<vmem>>, vector<16xi32>,
    %get3A_90 = vector.shape_cast %get3A_89 : vector<16xi32> to vector<16xi32>
    %mul3A_91 = arith.constant 1024 : i32
    %mul3A_92 = vector.broadcast %mul3A_91 : i32 to vector<16xi32>
    %mul3A_93 = arith.muli %get3A_90, %mul3A_92 : vector<16xi32>
    %get3A_94 = arith.constant 64 : index
    %get3A_95 = tpu.vector_load %arg6[%get3A_94] {strides = array<i32>} : memref<512xi32, #tpu.memory_space<vmem>>, vector<16xi32>,
    %get3A_96 = vector.shape_cast %get3A_95 : vector<16xi32> to vector<16xi32>
    %add3A_97 = arith.addi %mul3A_93, %get3A_96 : vector<16xi32>
    %swap3A_98 = arith.constant 0 : i32
    %swap3A_99 = arith.index_cast %swap3A_98 : i32 to index
    %swap3A_100 = arith.constant 64 : index
    %swap3A_101 = tpu.vector_load %arg9[%swap3A_99, %swap3A_100] {strides = array<i32>} : memref<4x128xi32, #tpu.memory_space<vmem>>, vector<1x16xi32>,
    %swap3A_102 = vector.shape_cast %swap3A_101 : vector<1x16xi32> to vector<16xi32>
    %swap3A_103 = vector.shape_cast %add3A_97 : vector<16xi32> to vector<1x16xi32>
    tpu.vector_store %arg9[%swap3A_99, %swap3A_100], %swap3A_103 {strides = array<i32>} : memref<4x128xi32, #tpu.memory_space<vmem>>, vector<1x16xi32>,
    %get3A_104 = arith.constant 80 : index
    %get3A_105 = tpu.vector_load %arg7[%get3A_104] {strides = array<i32>} : memref<512xi32, #tpu.memory_space<vmem>>, vector<16xi32>,
    %get3A_106 = vector.shape_cast %get3A_105 : vector<16xi32> to vector<16xi32>
    %mul3A_107 = arith.constant 1024 : i32
    %mul3A_108 = vector.broadcast %mul3A_107 : i32 to vector<16xi32>
    %mul3A_109 = arith.muli %get3A_106, %mul3A_108 : vector<16xi32>
    %get3A_110 = arith.constant 80 : index
    %get3A_111 = tpu.vector_load %arg6[%get3A_110] {strides = array<i32>} : memref<512xi32, #tpu.memory_space<vmem>>, vector<16xi32>,
    %get3A_112 = vector.shape_cast %get3A_111 : vector<16xi32> to vector<16xi32>
    %add3A_113 = arith.addi %mul3A_109, %get3A_112 : vector<16xi32>
    %swap3A_114 = arith.constant 0 : i32
    %swap3A_115 = arith.index_cast %swap3A_114 : i32 to index
    %swap3A_116 = arith.constant 80 : index
    %swap3A_117 = tpu.vector_load %arg9[%swap3A_115, %swap3A_116] {strides = array<i32>} : memref<4x128xi32, #tpu.memory_space<vmem>>, vector<1x16xi32>,
    %swap3A_118 = vector.shape_cast %swap3A_117 : vector<1x16xi32> to vector<16xi32>
    %swap3A_119 = vector.shape_cast %add3A_113 : vector<16xi32> to vector<1x16xi32>
    tpu.vector_store %arg9[%swap3A_115, %swap3A_116], %swap3A_119 {strides = array<i32>} : memref<4x128xi32, #tpu.memory_space<vmem>>, vector<1x16xi32>,
    %get3A_120 = arith.constant 96 : index
    %get3A_121 = tpu.vector_load %arg7[%get3A_120] {strides = array<i32>} : memref<512xi32, #tpu.memory_space<vmem>>, vector<16xi32>,
    %get3A_122 = vector.shape_cast %get3A_121 : vector<16xi32> to vector<16xi32>
    %mul3A_123 = arith.constant 1024 : i32
    %mul3A_124 = vector.broadcast %mul3A_123 : i32 to vector<16xi32>
    %mul3A_125 = arith.muli %get3A_122, %mul3A_124 : vector<16xi32>
    %get3A_126 = arith.constant 96 : index
    %get3A_127 = tpu.vector_load %arg6[%get3A_126] {strides = array<i32>} : memref<512xi32, #tpu.memory_space<vmem>>, vector<16xi32>,
    %get3A_128 = vector.shape_cast %get3A_127 : vector<16xi32> to vector<16xi32>
    %add3A_129 = arith.addi %mul3A_125, %get3A_128 : vector<16xi32>
    %swap3A_130 = arith.constant 0 : i32
    %swap3A_131 = arith.index_cast %swap3A_130 : i32 to index
    %swap3A_132 = arith.constant 96 : index
    %swap3A_133 = tpu.vector_load %arg9[%swap3A_131, %swap3A_132] {strides = array<i32>} : memref<4x128xi32, #tpu.memory_space<vmem>>, vector<1x16xi32>,
    %swap3A_134 = vector.shape_cast %swap3A_133 : vector<1x16xi32> to vector<16xi32>
    %swap3A_135 = vector.shape_cast %add3A_129 : vector<16xi32> to vector<1x16xi32>
    tpu.vector_store %arg9[%swap3A_131, %swap3A_132], %swap3A_135 {strides = array<i32>} : memref<4x128xi32, #tpu.memory_space<vmem>>, vector<1x16xi32>,
    %get3A_136 = arith.constant 112 : index
    %get3A_137 = tpu.vector_load %arg7[%get3A_136] {strides = array<i32>} : memref<512xi32, #tpu.memory_space<vmem>>, vector<16xi32>,
    %get3A_138 = vector.shape_cast %get3A_137 : vector<16xi32> to vector<16xi32>
    %mul3A_139 = arith.constant 1024 : i32
    %mul3A_140 = vector.broadcast %mul3A_139 : i32 to vector<16xi32>
    %mul3A_141 = arith.muli %get3A_138, %mul3A_140 : vector<16xi32>
    %get3A_142 = arith.constant 112 : index
    %get3A_143 = tpu.vector_load %arg6[%get3A_142] {strides = array<i32>} : memref<512xi32, #tpu.memory_space<vmem>>, vector<16xi32>,
    %get3A_144 = vector.shape_cast %get3A_143 : vector<16xi32> to vector<16xi32>
    %add3A_145 = arith.addi %mul3A_141, %get3A_144 : vector<16xi32>
    %swap3A_146 = arith.constant 0 : i32
    %swap3A_147 = arith.index_cast %swap3A_146 : i32 to index
    %swap3A_148 = arith.constant 112 : index
    %swap3A_149 = tpu.vector_load %arg9[%swap3A_147, %swap3A_148] {strides = array<i32>} : memref<4x128xi32, #tpu.memory_space<vmem>>, vector<1x16xi32>,
    %swap3A_150 = vector.shape_cast %swap3A_149 : vector<1x16xi32> to vector<16xi32>
    %swap3A_151 = vector.shape_cast %add3A_145 : vector<16xi32> to vector<1x16xi32>
    tpu.vector_store %arg9[%swap3A_147, %swap3A_148], %swap3A_151 {strides = array<i32>} : memref<4x128xi32, #tpu.memory_space<vmem>>, vector<1x16xi32>,
    %get3A_152 = arith.constant 128 : index
    %get3A_153 = tpu.vector_load %arg7[%get3A_152] {strides = array<i32>} : memref<512xi32, #tpu.memory_space<vmem>>, vector<16xi32>,
    %get3A_154 = vector.shape_cast %get3A_153 : vector<16xi32> to vector<16xi32>
    %mul3A_155 = arith.constant 1024 : i32
    %mul3A_156 = vector.broadcast %mul3A_155 : i32 to vector<16xi32>
    %mul3A_157 = arith.muli %get3A_154, %mul3A_156 : vector<16xi32>
    %get3A_158 = arith.constant 128 : index
    %get3A_159 = tpu.vector_load %arg6[%get3A_158] {strides = array<i32>} : memref<512xi32, #tpu.memory_space<vmem>>, vector<16xi32>,
    %get3A_160 = vector.shape_cast %get3A_159 : vector<16xi32> to vector<16xi32>
    %add3A_161 = arith.addi %mul3A_157, %get3A_160 : vector<16xi32>
    %swap3A_162 = arith.constant 1 : i32
    %swap3A_163 = arith.index_cast %swap3A_162 : i32 to index
    %swap3A_164 = arith.constant 0 : index
    %swap3A_165 = tpu.vector_load %arg9[%swap3A_163, %swap3A_164] {strides = array<i32>} : memref<4x128xi32, #tpu.memory_space<vmem>>, vector<1x16xi32>,
    %swap3A_166 = vector.shape_cast %swap3A_165 : vector<1x16xi32> to vector<16xi32>
    %swap3A_167 = vector.shape_cast %add3A_161 : vector<16xi32> to vector<1x16xi32>
    tpu.vector_store %arg9[%swap3A_163, %swap3A_164], %swap3A_167 {strides = array<i32>} : memref<4x128xi32, #tpu.memory_space<vmem>>, vector<1x16xi32>,
    %get3A_168 = arith.constant 144 : index
    %get3A_169 = tpu.vector_load %arg7[%get3A_168] {strides = array<i32>} : memref<512xi32, #tpu.memory_space<vmem>>, vector<16xi32>,
    %get3A_170 = vector.shape_cast %get3A_169 : vector<16xi32> to vector<16xi32>
    %mul3A_171 = arith.constant 1024 : i32
    %mul3A_172 = vector.broadcast %mul3A_171 : i32 to vector<16xi32>
    %mul3A_173 = arith.muli %get3A_170, %mul3A_172 : vector<16xi32>
    %get3A_174 = arith.constant 144 : index
    %get3A_175 = tpu.vector_load %arg6[%get3A_174] {strides = array<i32>} : memref<512xi32, #tpu.memory_space<vmem>>, vector<16xi32>,
    %get3A_176 = vector.shape_cast %get3A_175 : vector<16xi32> to vector<16xi32>
    %add3A_177 = arith.addi %mul3A_173, %get3A_176 : vector<16xi32>
    %swap3A_178 = arith.constant 1 : i32
    %swap3A_179 = arith.index_cast %swap3A_178 : i32 to index
    %swap3A_180 = arith.constant 16 : index
    %swap3A_181 = tpu.vector_load %arg9[%swap3A_179, %swap3A_180] {strides = array<i32>} : memref<4x128xi32, #tpu.memory_space<vmem>>, vector<1x16xi32>,
    %swap3A_182 = vector.shape_cast %swap3A_181 : vector<1x16xi32> to vector<16xi32>
    %swap3A_183 = vector.shape_cast %add3A_177 : vector<16xi32> to vector<1x16xi32>
    tpu.vector_store %arg9[%swap3A_179, %swap3A_180], %swap3A_183 {strides = array<i32>} : memref<4x128xi32, #tpu.memory_space<vmem>>, vector<1x16xi32>,
    %get3A_184 = arith.constant 160 : index
    %get3A_185 = tpu.vector_load %arg7[%get3A_184] {strides = array<i32>} : memref<512xi32, #tpu.memory_space<vmem>>, vector<16xi32>,
    %get3A_186 = vector.shape_cast %get3A_185 : vector<16xi32> to vector<16xi32>
    %mul3A_187 = arith.constant 1024 : i32
    %mul3A_188 = vector.broadcast %mul3A_187 : i32 to vector<16xi32>
    %mul3A_189 = arith.muli %get3A_186, %mul3A_188 : vector<16xi32>
    %get3A_190 = arith.constant 160 : index
    %get3A_191 = tpu.vector_load %arg6[%get3A_190] {strides = array<i32>} : memref<512xi32, #tpu.memory_space<vmem>>, vector<16xi32>,
    %get3A_192 = vector.shape_cast %get3A_191 : vector<16xi32> to vector<16xi32>
    %add3A_193 = arith.addi %mul3A_189, %get3A_192 : vector<16xi32>
    %swap3A_194 = arith.constant 1 : i32
    %swap3A_195 = arith.index_cast %swap3A_194 : i32 to index
    %swap3A_196 = arith.constant 32 : index
    %swap3A_197 = tpu.vector_load %arg9[%swap3A_195, %swap3A_196] {strides = array<i32>} : memref<4x128xi32, #tpu.memory_space<vmem>>, vector<1x16xi32>,
    %swap3A_198 = vector.shape_cast %swap3A_197 : vector<1x16xi32> to vector<16xi32>
    %swap3A_199 = vector.shape_cast %add3A_193 : vector<16xi32> to vector<1x16xi32>
    tpu.vector_store %arg9[%swap3A_195, %swap3A_196], %swap3A_199 {strides = array<i32>} : memref<4x128xi32, #tpu.memory_space<vmem>>, vector<1x16xi32>,
    %get3A_200 = arith.constant 176 : index
    %get3A_201 = tpu.vector_load %arg7[%get3A_200] {strides = array<i32>} : memref<512xi32, #tpu.memory_space<vmem>>, vector<16xi32>,
    %get3A_202 = vector.shape_cast %get3A_201 : vector<16xi32> to vector<16xi32>
    %mul3A_203 = arith.constant 1024 : i32
    %mul3A_204 = vector.broadcast %mul3A_203 : i32 to vector<16xi32>
    %mul3A_205 = arith.muli %get3A_202, %mul3A_204 : vector<16xi32>
    %get3A_206 = arith.constant 176 : index
    %get3A_207 = tpu.vector_load %arg6[%get3A_206] {strides = array<i32>} : memref<512xi32, #tpu.memory_space<vmem>>, vector<16xi32>,
    %get3A_208 = vector.shape_cast %get3A_207 : vector<16xi32> to vector<16xi32>
    %add3A_209 = arith.addi %mul3A_205, %get3A_208 : vector<16xi32>
    %swap3A_210 = arith.constant 1 : i32
    %swap3A_211 = arith.index_cast %swap3A_210 : i32 to index
    %swap3A_212 = arith.constant 48 : index
    %swap3A_213 = tpu.vector_load %arg9[%swap3A_211, %swap3A_212] {strides = array<i32>} : memref<4x128xi32, #tpu.memory_space<vmem>>, vector<1x16xi32>,
    %swap3A_214 = vector.shape_cast %swap3A_213 : vector<1x16xi32> to vector<16xi32>
    %swap3A_215 = vector.shape_cast %add3A_209 : vector<16xi32> to vector<1x16xi32>
    tpu.vector_store %arg9[%swap3A_211, %swap3A_212], %swap3A_215 {strides = array<i32>} : memref<4x128xi32, #tpu.memory_space<vmem>>, vector<1x16xi32>,
    %get3A_216 = arith.constant 192 : index
    %get3A_217 = tpu.vector_load %arg7[%get3A_216] {strides = array<i32>} : memref<512xi32, #tpu.memory_space<vmem>>, vector<16xi32>,
    %get3A_218 = vector.shape_cast %get3A_217 : vector<16xi32> to vector<16xi32>
    %mul3A_219 = arith.constant 1024 : i32
    %mul3A_220 = vector.broadcast %mul3A_219 : i32 to vector<16xi32>
    %mul3A_221 = arith.muli %get3A_218, %mul3A_220 : vector<16xi32>
    %get3A_222 = arith.constant 192 : index
    %get3A_223 = tpu.vector_load %arg6[%get3A_222] {strides = array<i32>} : memref<512xi32, #tpu.memory_space<vmem>>, vector<16xi32>,
    %get3A_224 = vector.shape_cast %get3A_223 : vector<16xi32> to vector<16xi32>
    %add3A_225 = arith.addi %mul3A_221, %get3A_224 : vector<16xi32>
    %swap3A_226 = arith.constant 1 : i32
    %swap3A_227 = arith.index_cast %swap3A_226 : i32 to index
    %swap3A_228 = arith.constant 64 : index
    %swap3A_229 = tpu.vector_load %arg9[%swap3A_227, %swap3A_228] {strides = array<i32>} : memref<4x128xi32, #tpu.memory_space<vmem>>, vector<1x16xi32>,
    %swap3A_230 = vector.shape_cast %swap3A_229 : vector<1x16xi32> to vector<16xi32>
    %swap3A_231 = vector.shape_cast %add3A_225 : vector<16xi32> to vector<1x16xi32>
    tpu.vector_store %arg9[%swap3A_227, %swap3A_228], %swap3A_231 {strides = array<i32>} : memref<4x128xi32, #tpu.memory_space<vmem>>, vector<1x16xi32>,
    %get3A_232 = arith.constant 208 : index
    %get3A_233 = tpu.vector_load %arg7[%get3A_232] {strides = array<i32>} : memref<512xi32, #tpu.memory_space<vmem>>, vector<16xi32>,
    %get3A_234 = vector.shape_cast %get3A_233 : vector<16xi32> to vector<16xi32>
    %mul3A_235 = arith.constant 1024 : i32
    %mul3A_236 = vector.broadcast %mul3A_235 : i32 to vector<16xi32>
    %mul3A_237 = arith.muli %get3A_234, %mul3A_236 : vector<16xi32>
    %get3A_238 = arith.constant 208 : index
    %get3A_239 = tpu.vector_load %arg6[%get3A_238] {strides = array<i32>} : memref<512xi32, #tpu.memory_space<vmem>>, vector<16xi32>,
    %get3A_240 = vector.shape_cast %get3A_239 : vector<16xi32> to vector<16xi32>
    %add3A_241 = arith.addi %mul3A_237, %get3A_240 : vector<16xi32>
    %swap3A_242 = arith.constant 1 : i32
    %swap3A_243 = arith.index_cast %swap3A_242 : i32 to index
    %swap3A_244 = arith.constant 80 : index
    %swap3A_245 = tpu.vector_load %arg9[%swap3A_243, %swap3A_244] {strides = array<i32>} : memref<4x128xi32, #tpu.memory_space<vmem>>, vector<1x16xi32>,
    %swap3A_246 = vector.shape_cast %swap3A_245 : vector<1x16xi32> to vector<16xi32>
    %swap3A_247 = vector.shape_cast %add3A_241 : vector<16xi32> to vector<1x16xi32>
    tpu.vector_store %arg9[%swap3A_243, %swap3A_244], %swap3A_247 {strides = array<i32>} : memref<4x128xi32, #tpu.memory_space<vmem>>, vector<1x16xi32>,
    %get3A_248 = arith.constant 224 : index
    %get3A_249 = tpu.vector_load %arg7[%get3A_248] {strides = array<i32>} : memref<512xi32, #tpu.memory_space<vmem>>, vector<16xi32>,
    %get3A_250 = vector.shape_cast %get3A_249 : vector<16xi32> to vector<16xi32>
    %mul3A_251 = arith.constant 1024 : i32
    %mul3A_252 = vector.broadcast %mul3A_251 : i32 to vector<16xi32>
    %mul3A_253 = arith.muli %get3A_250, %mul3A_252 : vector<16xi32>
    %get3A_254 = arith.constant 224 : index
    %get3A_255 = tpu.vector_load %arg6[%get3A_254] {strides = array<i32>} : memref<512xi32, #tpu.memory_space<vmem>>, vector<16xi32>,
    %get3A_256 = vector.shape_cast %get3A_255 : vector<16xi32> to vector<16xi32>
    %add3A_257 = arith.addi %mul3A_253, %get3A_256 : vector<16xi32>
    %swap3A_258 = arith.constant 1 : i32
    %swap3A_259 = arith.index_cast %swap3A_258 : i32 to index
    %swap3A_260 = arith.constant 96 : index
    %swap3A_261 = tpu.vector_load %arg9[%swap3A_259, %swap3A_260] {strides = array<i32>} : memref<4x128xi32, #tpu.memory_space<vmem>>, vector<1x16xi32>,
    %swap3A_262 = vector.shape_cast %swap3A_261 : vector<1x16xi32> to vector<16xi32>
    %swap3A_263 = vector.shape_cast %add3A_257 : vector<16xi32> to vector<1x16xi32>
    tpu.vector_store %arg9[%swap3A_259, %swap3A_260], %swap3A_263 {strides = array<i32>} : memref<4x128xi32, #tpu.memory_space<vmem>>, vector<1x16xi32>,
    %get3A_264 = arith.constant 240 : index
    %get3A_265 = tpu.vector_load %arg7[%get3A_264] {strides = array<i32>} : memref<512xi32, #tpu.memory_space<vmem>>, vector<16xi32>,
    %get3A_266 = vector.shape_cast %get3A_265 : vector<16xi32> to vector<16xi32>
    %mul3A_267 = arith.constant 1024 : i32
    %mul3A_268 = vector.broadcast %mul3A_267 : i32 to vector<16xi32>
    %mul3A_269 = arith.muli %get3A_266, %mul3A_268 : vector<16xi32>
    %get3A_270 = arith.constant 240 : index
    %get3A_271 = tpu.vector_load %arg6[%get3A_270] {strides = array<i32>} : memref<512xi32, #tpu.memory_space<vmem>>, vector<16xi32>,
    %get3A_272 = vector.shape_cast %get3A_271 : vector<16xi32> to vector<16xi32>
    %add3A_273 = arith.addi %mul3A_269, %get3A_272 : vector<16xi32>
    %swap3A_274 = arith.constant 1 : i32
    %swap3A_275 = arith.index_cast %swap3A_274 : i32 to index
    %swap3A_276 = arith.constant 112 : index
    %swap3A_277 = tpu.vector_load %arg9[%swap3A_275, %swap3A_276] {strides = array<i32>} : memref<4x128xi32, #tpu.memory_space<vmem>>, vector<1x16xi32>,
    %swap3A_278 = vector.shape_cast %swap3A_277 : vector<1x16xi32> to vector<16xi32>
    %swap3A_279 = vector.shape_cast %add3A_273 : vector<16xi32> to vector<1x16xi32>
    tpu.vector_store %arg9[%swap3A_275, %swap3A_276], %swap3A_279 {strides = array<i32>} : memref<4x128xi32, #tpu.memory_space<vmem>>, vector<1x16xi32>,
    %get3A_280 = arith.constant 256 : index
    %get3A_281 = tpu.vector_load %arg7[%get3A_280] {strides = array<i32>} : memref<512xi32, #tpu.memory_space<vmem>>, vector<16xi32>,
    %get3A_282 = vector.shape_cast %get3A_281 : vector<16xi32> to vector<16xi32>
    %mul3A_283 = arith.constant 1024 : i32
    %mul3A_284 = vector.broadcast %mul3A_283 : i32 to vector<16xi32>
    %mul3A_285 = arith.muli %get3A_282, %mul3A_284 : vector<16xi32>
    %get3A_286 = arith.constant 256 : index
    %get3A_287 = tpu.vector_load %arg6[%get3A_286] {strides = array<i32>} : memref<512xi32, #tpu.memory_space<vmem>>, vector<16xi32>,
    %get3A_288 = vector.shape_cast %get3A_287 : vector<16xi32> to vector<16xi32>
    %add3A_289 = arith.addi %mul3A_285, %get3A_288 : vector<16xi32>
    %swap3A_290 = arith.constant 2 : i32
    %swap3A_291 = arith.index_cast %swap3A_290 : i32 to index
    %swap3A_292 = arith.constant 0 : index
    %swap3A_293 = tpu.vector_load %arg9[%swap3A_291, %swap3A_292] {strides = array<i32>} : memref<4x128xi32, #tpu.memory_space<vmem>>, vector<1x16xi32>,
    %swap3A_294 = vector.shape_cast %swap3A_293 : vector<1x16xi32> to vector<16xi32>
    %swap3A_295 = vector.shape_cast %add3A_289 : vector<16xi32> to vector<1x16xi32>
    tpu.vector_store %arg9[%swap3A_291, %swap3A_292], %swap3A_295 {strides = array<i32>} : memref<4x128xi32, #tpu.memory_space<vmem>>, vector<1x16xi32>,
    %get3A_296 = arith.constant 272 : index
    %get3A_297 = tpu.vector_load %arg7[%get3A_296] {strides = array<i32>} : memref<512xi32, #tpu.memory_space<vmem>>, vector<16xi32>,
    %get3A_298 = vector.shape_cast %get3A_297 : vector<16xi32> to vector<16xi32>
    %mul3A_299 = arith.constant 1024 : i32
    %mul3A_300 = vector.broadcast %mul3A_299 : i32 to vector<16xi32>
    %mul3A_301 = arith.muli %get3A_298, %mul3A_300 : vector<16xi32>
    %get3A_302 = arith.constant 272 : index
    %get3A_303 = tpu.vector_load %arg6[%get3A_302] {strides = array<i32>} : memref<512xi32, #tpu.memory_space<vmem>>, vector<16xi32>,
    %get3A_304 = vector.shape_cast %get3A_303 : vector<16xi32> to vector<16xi32>
    %add3A_305 = arith.addi %mul3A_301, %get3A_304 : vector<16xi32>
    %swap3A_306 = arith.constant 2 : i32
    %swap3A_307 = arith.index_cast %swap3A_306 : i32 to index
    %swap3A_308 = arith.constant 16 : index
    %swap3A_309 = tpu.vector_load %arg9[%swap3A_307, %swap3A_308] {strides = array<i32>} : memref<4x128xi32, #tpu.memory_space<vmem>>, vector<1x16xi32>,
    %swap3A_310 = vector.shape_cast %swap3A_309 : vector<1x16xi32> to vector<16xi32>
    %swap3A_311 = vector.shape_cast %add3A_305 : vector<16xi32> to vector<1x16xi32>
    tpu.vector_store %arg9[%swap3A_307, %swap3A_308], %swap3A_311 {strides = array<i32>} : memref<4x128xi32, #tpu.memory_space<vmem>>, vector<1x16xi32>,
    %get3A_312 = arith.constant 288 : index
    %get3A_313 = tpu.vector_load %arg7[%get3A_312] {strides = array<i32>} : memref<512xi32, #tpu.memory_space<vmem>>, vector<16xi32>,
    %get3A_314 = vector.shape_cast %get3A_313 : vector<16xi32> to vector<16xi32>
    %mul3A_315 = arith.constant 1024 : i32
    %mul3A_316 = vector.broadcast %mul3A_315 : i32 to vector<16xi32>
    %mul3A_317 = arith.muli %get3A_314, %mul3A_316 : vector<16xi32>
    %get3A_318 = arith.constant 288 : index
    %get3A_319 = tpu.vector_load %arg6[%get3A_318] {strides = array<i32>} : memref<512xi32, #tpu.memory_space<vmem>>, vector<16xi32>,
    %get3A_320 = vector.shape_cast %get3A_319 : vector<16xi32> to vector<16xi32>
    %add3A_321 = arith.addi %mul3A_317, %get3A_320 : vector<16xi32>
    %swap3A_322 = arith.constant 2 : i32
    %swap3A_323 = arith.index_cast %swap3A_322 : i32 to index
    %swap3A_324 = arith.constant 32 : index
    %swap3A_325 = tpu.vector_load %arg9[%swap3A_323, %swap3A_324] {strides = array<i32>} : memref<4x128xi32, #tpu.memory_space<vmem>>, vector<1x16xi32>,
    %swap3A_326 = vector.shape_cast %swap3A_325 : vector<1x16xi32> to vector<16xi32>
    %swap3A_327 = vector.shape_cast %add3A_321 : vector<16xi32> to vector<1x16xi32>
    tpu.vector_store %arg9[%swap3A_323, %swap3A_324], %swap3A_327 {strides = array<i32>} : memref<4x128xi32, #tpu.memory_space<vmem>>, vector<1x16xi32>,
    %get3A_328 = arith.constant 304 : index
    %get3A_329 = tpu.vector_load %arg7[%get3A_328] {strides = array<i32>} : memref<512xi32, #tpu.memory_space<vmem>>, vector<16xi32>,
    %get3A_330 = vector.shape_cast %get3A_329 : vector<16xi32> to vector<16xi32>
    %mul3A_331 = arith.constant 1024 : i32
    %mul3A_332 = vector.broadcast %mul3A_331 : i32 to vector<16xi32>
    %mul3A_333 = arith.muli %get3A_330, %mul3A_332 : vector<16xi32>
    %get3A_334 = arith.constant 304 : index
    %get3A_335 = tpu.vector_load %arg6[%get3A_334] {strides = array<i32>} : memref<512xi32, #tpu.memory_space<vmem>>, vector<16xi32>,
    %get3A_336 = vector.shape_cast %get3A_335 : vector<16xi32> to vector<16xi32>
    %add3A_337 = arith.addi %mul3A_333, %get3A_336 : vector<16xi32>
    %swap3A_338 = arith.constant 2 : i32
    %swap3A_339 = arith.index_cast %swap3A_338 : i32 to index
    %swap3A_340 = arith.constant 48 : index
    %swap3A_341 = tpu.vector_load %arg9[%swap3A_339, %swap3A_340] {strides = array<i32>} : memref<4x128xi32, #tpu.memory_space<vmem>>, vector<1x16xi32>,
    %swap3A_342 = vector.shape_cast %swap3A_341 : vector<1x16xi32> to vector<16xi32>
    %swap3A_343 = vector.shape_cast %add3A_337 : vector<16xi32> to vector<1x16xi32>
    tpu.vector_store %arg9[%swap3A_339, %swap3A_340], %swap3A_343 {strides = array<i32>} : memref<4x128xi32, #tpu.memory_space<vmem>>, vector<1x16xi32>,
    %get3A_344 = arith.constant 320 : index
    %get3A_345 = tpu.vector_load %arg7[%get3A_344] {strides = array<i32>} : memref<512xi32, #tpu.memory_space<vmem>>, vector<16xi32>,
    %get3A_346 = vector.shape_cast %get3A_345 : vector<16xi32> to vector<16xi32>
    %mul3A_347 = arith.constant 1024 : i32
    %mul3A_348 = vector.broadcast %mul3A_347 : i32 to vector<16xi32>
    %mul3A_349 = arith.muli %get3A_346, %mul3A_348 : vector<16xi32>
    %get3A_350 = arith.constant 320 : index
    %get3A_351 = tpu.vector_load %arg6[%get3A_350] {strides = array<i32>} : memref<512xi32, #tpu.memory_space<vmem>>, vector<16xi32>,
    %get3A_352 = vector.shape_cast %get3A_351 : vector<16xi32> to vector<16xi32>
    %add3A_353 = arith.addi %mul3A_349, %get3A_352 : vector<16xi32>
    %swap3A_354 = arith.constant 2 : i32
    %swap3A_355 = arith.index_cast %swap3A_354 : i32 to index
    %swap3A_356 = arith.constant 64 : index
    %swap3A_357 = tpu.vector_load %arg9[%swap3A_355, %swap3A_356] {strides = array<i32>} : memref<4x128xi32, #tpu.memory_space<vmem>>, vector<1x16xi32>,
    %swap3A_358 = vector.shape_cast %swap3A_357 : vector<1x16xi32> to vector<16xi32>
    %swap3A_359 = vector.shape_cast %add3A_353 : vector<16xi32> to vector<1x16xi32>
    tpu.vector_store %arg9[%swap3A_355, %swap3A_356], %swap3A_359 {strides = array<i32>} : memref<4x128xi32, #tpu.memory_space<vmem>>, vector<1x16xi32>,
    %get3A_360 = arith.constant 336 : index
    %get3A_361 = tpu.vector_load %arg7[%get3A_360] {strides = array<i32>} : memref<512xi32, #tpu.memory_space<vmem>>, vector<16xi32>,
    %get3A_362 = vector.shape_cast %get3A_361 : vector<16xi32> to vector<16xi32>
    %mul3A_363 = arith.constant 1024 : i32
    %mul3A_364 = vector.broadcast %mul3A_363 : i32 to vector<16xi32>
    %mul3A_365 = arith.muli %get3A_362, %mul3A_364 : vector<16xi32>
    %get3A_366 = arith.constant 336 : index
    %get3A_367 = tpu.vector_load %arg6[%get3A_366] {strides = array<i32>} : memref<512xi32, #tpu.memory_space<vmem>>, vector<16xi32>,
    %get3A_368 = vector.shape_cast %get3A_367 : vector<16xi32> to vector<16xi32>
    %add3A_369 = arith.addi %mul3A_365, %get3A_368 : vector<16xi32>
    %swap3A_370 = arith.constant 2 : i32
    %swap3A_371 = arith.index_cast %swap3A_370 : i32 to index
    %swap3A_372 = arith.constant 80 : index
    %swap3A_373 = tpu.vector_load %arg9[%swap3A_371, %swap3A_372] {strides = array<i32>} : memref<4x128xi32, #tpu.memory_space<vmem>>, vector<1x16xi32>,
    %swap3A_374 = vector.shape_cast %swap3A_373 : vector<1x16xi32> to vector<16xi32>
    %swap3A_375 = vector.shape_cast %add3A_369 : vector<16xi32> to vector<1x16xi32>
    tpu.vector_store %arg9[%swap3A_371, %swap3A_372], %swap3A_375 {strides = array<i32>} : memref<4x128xi32, #tpu.memory_space<vmem>>, vector<1x16xi32>,
    %get3A_376 = arith.constant 352 : index
    %get3A_377 = tpu.vector_load %arg7[%get3A_376] {strides = array<i32>} : memref<512xi32, #tpu.memory_space<vmem>>, vector<16xi32>,
    %get3A_378 = vector.shape_cast %get3A_377 : vector<16xi32> to vector<16xi32>
    %mul3A_379 = arith.constant 1024 : i32
    %mul3A_380 = vector.broadcast %mul3A_379 : i32 to vector<16xi32>
    %mul3A_381 = arith.muli %get3A_378, %mul3A_380 : vector<16xi32>
    %get3A_382 = arith.constant 352 : index
    %get3A_383 = tpu.vector_load %arg6[%get3A_382] {strides = array<i32>} : memref<512xi32, #tpu.memory_space<vmem>>, vector<16xi32>,
    %get3A_384 = vector.shape_cast %get3A_383 : vector<16xi32> to vector<16xi32>
    %add3A_385 = arith.addi %mul3A_381, %get3A_384 : vector<16xi32>
    %swap3A_386 = arith.constant 2 : i32
    %swap3A_387 = arith.index_cast %swap3A_386 : i32 to index
    %swap3A_388 = arith.constant 96 : index
    %swap3A_389 = tpu.vector_load %arg9[%swap3A_387, %swap3A_388] {strides = array<i32>} : memref<4x128xi32, #tpu.memory_space<vmem>>, vector<1x16xi32>,
    %swap3A_390 = vector.shape_cast %swap3A_389 : vector<1x16xi32> to vector<16xi32>
    %swap3A_391 = vector.shape_cast %add3A_385 : vector<16xi32> to vector<1x16xi32>
    tpu.vector_store %arg9[%swap3A_387, %swap3A_388], %swap3A_391 {strides = array<i32>} : memref<4x128xi32, #tpu.memory_space<vmem>>, vector<1x16xi32>,
    %get3A_392 = arith.constant 368 : index
    %get3A_393 = tpu.vector_load %arg7[%get3A_392] {strides = array<i32>} : memref<512xi32, #tpu.memory_space<vmem>>, vector<16xi32>,
    %get3A_394 = vector.shape_cast %get3A_393 : vector<16xi32> to vector<16xi32>
    %mul3A_395 = arith.constant 1024 : i32
    %mul3A_396 = vector.broadcast %mul3A_395 : i32 to vector<16xi32>
    %mul3A_397 = arith.muli %get3A_394, %mul3A_396 : vector<16xi32>
    %get3A_398 = arith.constant 368 : index
    %get3A_399 = tpu.vector_load %arg6[%get3A_398] {strides = array<i32>} : memref<512xi32, #tpu.memory_space<vmem>>, vector<16xi32>,
    %get3A_400 = vector.shape_cast %get3A_399 : vector<16xi32> to vector<16xi32>
    %add3A_401 = arith.addi %mul3A_397, %get3A_400 : vector<16xi32>
    %swap3A_402 = arith.constant 2 : i32
    %swap3A_403 = arith.index_cast %swap3A_402 : i32 to index
    %swap3A_404 = arith.constant 112 : index
    %swap3A_405 = tpu.vector_load %arg9[%swap3A_403, %swap3A_404] {strides = array<i32>} : memref<4x128xi32, #tpu.memory_space<vmem>>, vector<1x16xi32>,
    %swap3A_406 = vector.shape_cast %swap3A_405 : vector<1x16xi32> to vector<16xi32>
    %swap3A_407 = vector.shape_cast %add3A_401 : vector<16xi32> to vector<1x16xi32>
    tpu.vector_store %arg9[%swap3A_403, %swap3A_404], %swap3A_407 {strides = array<i32>} : memref<4x128xi32, #tpu.memory_space<vmem>>, vector<1x16xi32>,
    %get3A_408 = arith.constant 384 : index
    %get3A_409 = tpu.vector_load %arg7[%get3A_408] {strides = array<i32>} : memref<512xi32, #tpu.memory_space<vmem>>, vector<16xi32>,
    %get3A_410 = vector.shape_cast %get3A_409 : vector<16xi32> to vector<16xi32>
    %mul3A_411 = arith.constant 1024 : i32
    %mul3A_412 = vector.broadcast %mul3A_411 : i32 to vector<16xi32>
    %mul3A_413 = arith.muli %get3A_410, %mul3A_412 : vector<16xi32>
    %get3A_414 = arith.constant 384 : index
    %get3A_415 = tpu.vector_load %arg6[%get3A_414] {strides = array<i32>} : memref<512xi32, #tpu.memory_space<vmem>>, vector<16xi32>,
    %get3A_416 = vector.shape_cast %get3A_415 : vector<16xi32> to vector<16xi32>
    %add3A_417 = arith.addi %mul3A_413, %get3A_416 : vector<16xi32>
    %swap3A_418 = arith.constant 3 : i32
    %swap3A_419 = arith.index_cast %swap3A_418 : i32 to index
    %swap3A_420 = arith.constant 0 : index
    %swap3A_421 = tpu.vector_load %arg9[%swap3A_419, %swap3A_420] {strides = array<i32>} : memref<4x128xi32, #tpu.memory_space<vmem>>, vector<1x16xi32>,
    %swap3A_422 = vector.shape_cast %swap3A_421 : vector<1x16xi32> to vector<16xi32>
    %swap3A_423 = vector.shape_cast %add3A_417 : vector<16xi32> to vector<1x16xi32>
    tpu.vector_store %arg9[%swap3A_419, %swap3A_420], %swap3A_423 {strides = array<i32>} : memref<4x128xi32, #tpu.memory_space<vmem>>, vector<1x16xi32>,
    %get3A_424 = arith.constant 400 : index
    %get3A_425 = tpu.vector_load %arg7[%get3A_424] {strides = array<i32>} : memref<512xi32, #tpu.memory_space<vmem>>, vector<16xi32>,
    %get3A_426 = vector.shape_cast %get3A_425 : vector<16xi32> to vector<16xi32>
    %mul3A_427 = arith.constant 1024 : i32
    %mul3A_428 = vector.broadcast %mul3A_427 : i32 to vector<16xi32>
    %mul3A_429 = arith.muli %get3A_426, %mul3A_428 : vector<16xi32>
    %get3A_430 = arith.constant 400 : index
    %get3A_431 = tpu.vector_load %arg6[%get3A_430] {strides = array<i32>} : memref<512xi32, #tpu.memory_space<vmem>>, vector<16xi32>,
    %get3A_432 = vector.shape_cast %get3A_431 : vector<16xi32> to vector<16xi32>
    %add3A_433 = arith.addi %mul3A_429, %get3A_432 : vector<16xi32>
    %swap3A_434 = arith.constant 3 : i32
    %swap3A_435 = arith.index_cast %swap3A_434 : i32 to index
    %swap3A_436 = arith.constant 16 : index
    %swap3A_437 = tpu.vector_load %arg9[%swap3A_435, %swap3A_436] {strides = array<i32>} : memref<4x128xi32, #tpu.memory_space<vmem>>, vector<1x16xi32>,
    %swap3A_438 = vector.shape_cast %swap3A_437 : vector<1x16xi32> to vector<16xi32>
    %swap3A_439 = vector.shape_cast %add3A_433 : vector<16xi32> to vector<1x16xi32>
    tpu.vector_store %arg9[%swap3A_435, %swap3A_436], %swap3A_439 {strides = array<i32>} : memref<4x128xi32, #tpu.memory_space<vmem>>, vector<1x16xi32>,
    %get3A_440 = arith.constant 416 : index
    %get3A_441 = tpu.vector_load %arg7[%get3A_440] {strides = array<i32>} : memref<512xi32, #tpu.memory_space<vmem>>, vector<16xi32>,
    %get3A_442 = vector.shape_cast %get3A_441 : vector<16xi32> to vector<16xi32>
    %mul3A_443 = arith.constant 1024 : i32
    %mul3A_444 = vector.broadcast %mul3A_443 : i32 to vector<16xi32>
    %mul3A_445 = arith.muli %get3A_442, %mul3A_444 : vector<16xi32>
    %get3A_446 = arith.constant 416 : index
    %get3A_447 = tpu.vector_load %arg6[%get3A_446] {strides = array<i32>} : memref<512xi32, #tpu.memory_space<vmem>>, vector<16xi32>,
    %get3A_448 = vector.shape_cast %get3A_447 : vector<16xi32> to vector<16xi32>
    %add3A_449 = arith.addi %mul3A_445, %get3A_448 : vector<16xi32>
    %swap3A_450 = arith.constant 3 : i32
    %swap3A_451 = arith.index_cast %swap3A_450 : i32 to index
    %swap3A_452 = arith.constant 32 : index
    %swap3A_453 = tpu.vector_load %arg9[%swap3A_451, %swap3A_452] {strides = array<i32>} : memref<4x128xi32, #tpu.memory_space<vmem>>, vector<1x16xi32>,
    %swap3A_454 = vector.shape_cast %swap3A_453 : vector<1x16xi32> to vector<16xi32>
    %swap3A_455 = vector.shape_cast %add3A_449 : vector<16xi32> to vector<1x16xi32>
    tpu.vector_store %arg9[%swap3A_451, %swap3A_452], %swap3A_455 {strides = array<i32>} : memref<4x128xi32, #tpu.memory_space<vmem>>, vector<1x16xi32>,
    %get3A_456 = arith.constant 432 : index
    %get3A_457 = tpu.vector_load %arg7[%get3A_456] {strides = array<i32>} : memref<512xi32, #tpu.memory_space<vmem>>, vector<16xi32>,
    %get3A_458 = vector.shape_cast %get3A_457 : vector<16xi32> to vector<16xi32>
    %mul3A_459 = arith.constant 1024 : i32
    %mul3A_460 = vector.broadcast %mul3A_459 : i32 to vector<16xi32>
    %mul3A_461 = arith.muli %get3A_458, %mul3A_460 : vector<16xi32>
    %get3A_462 = arith.constant 432 : index
    %get3A_463 = tpu.vector_load %arg6[%get3A_462] {strides = array<i32>} : memref<512xi32, #tpu.memory_space<vmem>>, vector<16xi32>,
    %get3A_464 = vector.shape_cast %get3A_463 : vector<16xi32> to vector<16xi32>
    %add3A_465 = arith.addi %mul3A_461, %get3A_464 : vector<16xi32>
    %swap3A_466 = arith.constant 3 : i32
    %swap3A_467 = arith.index_cast %swap3A_466 : i32 to index
    %swap3A_468 = arith.constant 48 : index
    %swap3A_469 = tpu.vector_load %arg9[%swap3A_467, %swap3A_468] {strides = array<i32>} : memref<4x128xi32, #tpu.memory_space<vmem>>, vector<1x16xi32>,
    %swap3A_470 = vector.shape_cast %swap3A_469 : vector<1x16xi32> to vector<16xi32>
    %swap3A_471 = vector.shape_cast %add3A_465 : vector<16xi32> to vector<1x16xi32>
    tpu.vector_store %arg9[%swap3A_467, %swap3A_468], %swap3A_471 {strides = array<i32>} : memref<4x128xi32, #tpu.memory_space<vmem>>, vector<1x16xi32>,
    %get3A_472 = arith.constant 448 : index
    %get3A_473 = tpu.vector_load %arg7[%get3A_472] {strides = array<i32>} : memref<512xi32, #tpu.memory_space<vmem>>, vector<16xi32>,
    %get3A_474 = vector.shape_cast %get3A_473 : vector<16xi32> to vector<16xi32>
    %mul3A_475 = arith.constant 1024 : i32
    %mul3A_476 = vector.broadcast %mul3A_475 : i32 to vector<16xi32>
    %mul3A_477 = arith.muli %get3A_474, %mul3A_476 : vector<16xi32>
    %get3A_478 = arith.constant 448 : index
    %get3A_479 = tpu.vector_load %arg6[%get3A_478] {strides = array<i32>} : memref<512xi32, #tpu.memory_space<vmem>>, vector<16xi32>,
    %get3A_480 = vector.shape_cast %get3A_479 : vector<16xi32> to vector<16xi32>
    %add3A_481 = arith.addi %mul3A_477, %get3A_480 : vector<16xi32>
    %swap3A_482 = arith.constant 3 : i32
    %swap3A_483 = arith.index_cast %swap3A_482 : i32 to index
    %swap3A_484 = arith.constant 64 : index
    %swap3A_485 = tpu.vector_load %arg9[%swap3A_483, %swap3A_484] {strides = array<i32>} : memref<4x128xi32, #tpu.memory_space<vmem>>, vector<1x16xi32>,
    %swap3A_486 = vector.shape_cast %swap3A_485 : vector<1x16xi32> to vector<16xi32>
    %swap3A_487 = vector.shape_cast %add3A_481 : vector<16xi32> to vector<1x16xi32>
    tpu.vector_store %arg9[%swap3A_483, %swap3A_484], %swap3A_487 {strides = array<i32>} : memref<4x128xi32, #tpu.memory_space<vmem>>, vector<1x16xi32>,
    %get3A_488 = arith.constant 464 : index
    %get3A_489 = tpu.vector_load %arg7[%get3A_488] {strides = array<i32>} : memref<512xi32, #tpu.memory_space<vmem>>, vector<16xi32>,
    %get3A_490 = vector.shape_cast %get3A_489 : vector<16xi32> to vector<16xi32>
    %mul3A_491 = arith.constant 1024 : i32
    %mul3A_492 = vector.broadcast %mul3A_491 : i32 to vector<16xi32>
    %mul3A_493 = arith.muli %get3A_490, %mul3A_492 : vector<16xi32>
    %get3A_494 = arith.constant 464 : index
    %get3A_495 = tpu.vector_load %arg6[%get3A_494] {strides = array<i32>} : memref<512xi32, #tpu.memory_space<vmem>>, vector<16xi32>,
    %get3A_496 = vector.shape_cast %get3A_495 : vector<16xi32> to vector<16xi32>
    %add3A_497 = arith.addi %mul3A_493, %get3A_496 : vector<16xi32>
    %swap3A_498 = arith.constant 3 : i32
    %swap3A_499 = arith.index_cast %swap3A_498 : i32 to index
    %swap3A_500 = arith.constant 80 : index
    %swap3A_501 = tpu.vector_load %arg9[%swap3A_499, %swap3A_500] {strides = array<i32>} : memref<4x128xi32, #tpu.memory_space<vmem>>, vector<1x16xi32>,
    %swap3A_502 = vector.shape_cast %swap3A_501 : vector<1x16xi32> to vector<16xi32>
    %swap3A_503 = vector.shape_cast %add3A_497 : vector<16xi32> to vector<1x16xi32>
    tpu.vector_store %arg9[%swap3A_499, %swap3A_500], %swap3A_503 {strides = array<i32>} : memref<4x128xi32, #tpu.memory_space<vmem>>, vector<1x16xi32>,
    %get3A_504 = arith.constant 480 : index
    %get3A_505 = tpu.vector_load %arg7[%get3A_504] {strides = array<i32>} : memref<512xi32, #tpu.memory_space<vmem>>, vector<16xi32>,
    %get3A_506 = vector.shape_cast %get3A_505 : vector<16xi32> to vector<16xi32>
    %mul3A_507 = arith.constant 1024 : i32
    %mul3A_508 = vector.broadcast %mul3A_507 : i32 to vector<16xi32>
    %mul3A_509 = arith.muli %get3A_506, %mul3A_508 : vector<16xi32>
    %get3A_510 = arith.constant 480 : index
    %get3A_511 = tpu.vector_load %arg6[%get3A_510] {strides = array<i32>} : memref<512xi32, #tpu.memory_space<vmem>>, vector<16xi32>,
    %get3A_512 = vector.shape_cast %get3A_511 : vector<16xi32> to vector<16xi32>
    %add3A_513 = arith.addi %mul3A_509, %get3A_512 : vector<16xi32>
    %swap3A_514 = arith.constant 3 : i32
    %swap3A_515 = arith.index_cast %swap3A_514 : i32 to index
    %swap3A_516 = arith.constant 96 : index
    %swap3A_517 = tpu.vector_load %arg9[%swap3A_515, %swap3A_516] {strides = array<i32>} : memref<4x128xi32, #tpu.memory_space<vmem>>, vector<1x16xi32>,
    %swap3A_518 = vector.shape_cast %swap3A_517 : vector<1x16xi32> to vector<16xi32>
    %swap3A_519 = vector.shape_cast %add3A_513 : vector<16xi32> to vector<1x16xi32>
    tpu.vector_store %arg9[%swap3A_515, %swap3A_516], %swap3A_519 {strides = array<i32>} : memref<4x128xi32, #tpu.memory_space<vmem>>, vector<1x16xi32>,
    %get3A_520 = arith.constant 496 : index
    %get3A_521 = tpu.vector_load %arg7[%get3A_520] {strides = array<i32>} : memref<512xi32, #tpu.memory_space<vmem>>, vector<16xi32>,
    %get3A_522 = vector.shape_cast %get3A_521 : vector<16xi32> to vector<16xi32>
    %mul3A_523 = arith.constant 1024 : i32
    %mul3A_524 = vector.broadcast %mul3A_523 : i32 to vector<16xi32>
    %mul3A_525 = arith.muli %get3A_522, %mul3A_524 : vector<16xi32>
    %get3A_526 = arith.constant 496 : index
    %get3A_527 = tpu.vector_load %arg6[%get3A_526] {strides = array<i32>} : memref<512xi32, #tpu.memory_space<vmem>>, vector<16xi32>,
    %get3A_528 = vector.shape_cast %get3A_527 : vector<16xi32> to vector<16xi32>
    %add3A_529 = arith.addi %mul3A_525, %get3A_528 : vector<16xi32>
    %swap3A_530 = arith.constant 3 : i32
    %swap3A_531 = arith.index_cast %swap3A_530 : i32 to index
    %swap3A_532 = arith.constant 112 : index
    %swap3A_533 = tpu.vector_load %arg9[%swap3A_531, %swap3A_532] {strides = array<i32>} : memref<4x128xi32, #tpu.memory_space<vmem>>, vector<1x16xi32>,
    %swap3A_534 = vector.shape_cast %swap3A_533 : vector<1x16xi32> to vector<16xi32>
    %swap3A_535 = vector.shape_cast %add3A_529 : vector<16xi32> to vector<1x16xi32>
    tpu.vector_store %arg9[%swap3A_531, %swap3A_532], %swap3A_535 {strides = array<i32>} : memref<4x128xi32, #tpu.memory_space<vmem>>, vector<1x16xi32>,
    %barrier3A = arith.constant 0 : index
    tpu.barrier barrier_id(%barrier3A)
    %run_scoped3A = arith.constant 0 : i32
    "tpu.region"() ({
      %run_scoped3A_548 = tpu.sem_alloc : memref<!tpu.dma_semaphore, #tpu.memory_space<semaphore_mem>>
      %dma_start3A_549 = arith.constant 0 : i32
      %dma_start3A_550 = tpu.memref_slice %arg8[%dma_start3A_549] : memref<512xf32, #tpu.memory_space<vmem>> -> memref<128xf32, #tpu.memory_space<vmem>>
      %dma_start3A_551 = arith.constant 0 : i32
      %dma_start3A_552 = tpu.memref_slice %arg9[%run_scoped3A, %dma_start3A_551] : memref<4x128xi32, #tpu.memory_space<vmem>> -> memref<1x128xi32, #tpu.memory_space<vmem>>
      %dma_start3A_553 = tpu.memref_squeeze %dma_start3A_552 : memref<1x128xi32, #tpu.memory_space<vmem>> -> memref<128xi32, #tpu.memory_space<vmem>>
      %dma_start3A_554 = arith.constant 0 : i32
      %dma_start3A_555 = tpu.memref_slice %arg11[%dma_start3A_554] : memref<1048576xf32, #tpu.memory_space<vmem_shared>> -> memref<1048576xf32, #tpu.memory_space<vmem_shared>>
      tpu.enqueue_indirect_dma source(%dma_start3A_550 : memref<128xf32, #tpu.memory_space<vmem>>) target(%dma_start3A_555 : memref<1048576xf32, #tpu.memory_space<vmem_shared>>) offsets(%dma_start3A_553 : memref<128xi32, #tpu.memory_space<vmem>>) semaphore(%run_scoped3A_548 : memref<!tpu.dma_semaphore, #tpu.memory_space<semaphore_mem>>) {add = true}
      %dma_wait3A_556 = arith.constant 0 : i32
      %dma_wait3A_557 = tpu.memref_slice %arg8[%dma_wait3A_556] : memref<512xf32, #tpu.memory_space<vmem>> -> memref<128xf32, #tpu.memory_space<vmem>>
      %dma_wait3A_558 = arith.constant 0 : i32
      %dma_wait3A_559 = tpu.memref_slice %arg9[%run_scoped3A, %dma_wait3A_558] : memref<4x128xi32, #tpu.memory_space<vmem>> -> memref<1x128xi32, #tpu.memory_space<vmem>>
      %dma_wait3A_560 = tpu.memref_squeeze %dma_wait3A_559 : memref<1x128xi32, #tpu.memory_space<vmem>> -> memref<128xi32, #tpu.memory_space<vmem>>
      %dma_wait3A_561 = arith.constant 0 : i32
      %dma_wait3A_562 = tpu.memref_slice %arg11[%dma_wait3A_561] : memref<1048576xf32, #tpu.memory_space<vmem_shared>> -> memref<1048576xf32, #tpu.memory_space<vmem_shared>>
      tpu.wait_indirect_dma semaphore(%run_scoped3A_548 : memref<!tpu.dma_semaphore, #tpu.memory_space<semaphore_mem>>) src(%dma_wait3A_557 : memref<128xf32, #tpu.memory_space<vmem>>) dst(%dma_wait3A_562 : memref<1048576xf32, #tpu.memory_space<vmem_shared>>)
      tpu.yield
    }) : () -> ()
    %run_scoped3A_536 = arith.constant 1 : i32
    "tpu.region"() ({
      %run_scoped3A_548 = tpu.sem_alloc : memref<!tpu.dma_semaphore, #tpu.memory_space<semaphore_mem>>
      %dma_start3A_549 = arith.constant 128 : i32
      %dma_start3A_550 = tpu.memref_slice %arg8[%dma_start3A_549] : memref<512xf32, #tpu.memory_space<vmem>> -> memref<128xf32, #tpu.memory_space<vmem>>
      %dma_start3A_551 = arith.constant 0 : i32
      %dma_start3A_552 = tpu.memref_slice %arg9[%run_scoped3A_536, %dma_start3A_551] : memref<4x128xi32, #tpu.memory_space<vmem>> -> memref<1x128xi32, #tpu.memory_space<vmem>>
      %dma_start3A_553 = tpu.memref_squeeze %dma_start3A_552 : memref<1x128xi32, #tpu.memory_space<vmem>> -> memref<128xi32, #tpu.memory_space<vmem>>
      %dma_start3A_554 = arith.constant 0 : i32
      %dma_start3A_555 = tpu.memref_slice %arg11[%dma_start3A_554] : memref<1048576xf32, #tpu.memory_space<vmem_shared>> -> memref<1048576xf32, #tpu.memory_space<vmem_shared>>
      tpu.enqueue_indirect_dma source(%dma_start3A_550 : memref<128xf32, #tpu.memory_space<vmem>>) target(%dma_start3A_555 : memref<1048576xf32, #tpu.memory_space<vmem_shared>>) offsets(%dma_start3A_553 : memref<128xi32, #tpu.memory_space<vmem>>) semaphore(%run_scoped3A_548 : memref<!tpu.dma_semaphore, #tpu.memory_space<semaphore_mem>>) {add = true}
      %dma_wait3A_556 = arith.constant 128 : i32
      %dma_wait3A_557 = tpu.memref_slice %arg8[%dma_wait3A_556] : memref<512xf32, #tpu.memory_space<vmem>> -> memref<128xf32, #tpu.memory_space<vmem>>
      %dma_wait3A_558 = arith.constant 0 : i32
      %dma_wait3A_559 = tpu.memref_slice %arg9[%run_scoped3A_536, %dma_wait3A_558] : memref<4x128xi32, #tpu.memory_space<vmem>> -> memref<1x128xi32, #tpu.memory_space<vmem>>
      %dma_wait3A_560 = tpu.memref_squeeze %dma_wait3A_559 : memref<1x128xi32, #tpu.memory_space<vmem>> -> memref<128xi32, #tpu.memory_space<vmem>>
      %dma_wait3A_561 = arith.constant 0 : i32
      %dma_wait3A_562 = tpu.memref_slice %arg11[%dma_wait3A_561] : memref<1048576xf32, #tpu.memory_space<vmem_shared>> -> memref<1048576xf32, #tpu.memory_space<vmem_shared>>
      tpu.wait_indirect_dma semaphore(%run_scoped3A_548 : memref<!tpu.dma_semaphore, #tpu.memory_space<semaphore_mem>>) src(%dma_wait3A_557 : memref<128xf32, #tpu.memory_space<vmem>>) dst(%dma_wait3A_562 : memref<1048576xf32, #tpu.memory_space<vmem_shared>>)
      tpu.yield
    }) : () -> ()
    %run_scoped3A_537 = arith.constant 2 : i32
    "tpu.region"() ({
      %run_scoped3A_548 = tpu.sem_alloc : memref<!tpu.dma_semaphore, #tpu.memory_space<semaphore_mem>>
      %dma_start3A_549 = arith.constant 256 : i32
      %dma_start3A_550 = tpu.memref_slice %arg8[%dma_start3A_549] : memref<512xf32, #tpu.memory_space<vmem>> -> memref<128xf32, #tpu.memory_space<vmem>>
      %dma_start3A_551 = arith.constant 0 : i32
      %dma_start3A_552 = tpu.memref_slice %arg9[%run_scoped3A_537, %dma_start3A_551] : memref<4x128xi32, #tpu.memory_space<vmem>> -> memref<1x128xi32, #tpu.memory_space<vmem>>
      %dma_start3A_553 = tpu.memref_squeeze %dma_start3A_552 : memref<1x128xi32, #tpu.memory_space<vmem>> -> memref<128xi32, #tpu.memory_space<vmem>>
      %dma_start3A_554 = arith.constant 0 : i32
      %dma_start3A_555 = tpu.memref_slice %arg11[%dma_start3A_554] : memref<1048576xf32, #tpu.memory_space<vmem_shared>> -> memref<1048576xf32, #tpu.memory_space<vmem_shared>>
      tpu.enqueue_indirect_dma source(%dma_start3A_550 : memref<128xf32, #tpu.memory_space<vmem>>) target(%dma_start3A_555 : memref<1048576xf32, #tpu.memory_space<vmem_shared>>) offsets(%dma_start3A_553 : memref<128xi32, #tpu.memory_space<vmem>>) semaphore(%run_scoped3A_548 : memref<!tpu.dma_semaphore, #tpu.memory_space<semaphore_mem>>) {add = true}
      %dma_wait3A_556 = arith.constant 256 : i32
      %dma_wait3A_557 = tpu.memref_slice %arg8[%dma_wait3A_556] : memref<512xf32, #tpu.memory_space<vmem>> -> memref<128xf32, #tpu.memory_space<vmem>>
      %dma_wait3A_558 = arith.constant 0 : i32
      %dma_wait3A_559 = tpu.memref_slice %arg9[%run_scoped3A_537, %dma_wait3A_558] : memref<4x128xi32, #tpu.memory_space<vmem>> -> memref<1x128xi32, #tpu.memory_space<vmem>>
      %dma_wait3A_560 = tpu.memref_squeeze %dma_wait3A_559 : memref<1x128xi32, #tpu.memory_space<vmem>> -> memref<128xi32, #tpu.memory_space<vmem>>
      %dma_wait3A_561 = arith.constant 0 : i32
      %dma_wait3A_562 = tpu.memref_slice %arg11[%dma_wait3A_561] : memref<1048576xf32, #tpu.memory_space<vmem_shared>> -> memref<1048576xf32, #tpu.memory_space<vmem_shared>>
      tpu.wait_indirect_dma semaphore(%run_scoped3A_548 : memref<!tpu.dma_semaphore, #tpu.memory_space<semaphore_mem>>) src(%dma_wait3A_557 : memref<128xf32, #tpu.memory_space<vmem>>) dst(%dma_wait3A_562 : memref<1048576xf32, #tpu.memory_space<vmem_shared>>)
      tpu.yield
    }) : () -> ()
    %run_scoped3A_538 = arith.constant 3 : i32
    "tpu.region"() ({
      %run_scoped3A_548 = tpu.sem_alloc : memref<!tpu.dma_semaphore, #tpu.memory_space<semaphore_mem>>
      %dma_start3A_549 = arith.constant 384 : i32
      %dma_start3A_550 = tpu.memref_slice %arg8[%dma_start3A_549] : memref<512xf32, #tpu.memory_space<vmem>> -> memref<128xf32, #tpu.memory_space<vmem>>
      %dma_start3A_551 = arith.constant 0 : i32
      %dma_start3A_552 = tpu.memref_slice %arg9[%run_scoped3A_538, %dma_start3A_551] : memref<4x128xi32, #tpu.memory_space<vmem>> -> memref<1x128xi32, #tpu.memory_space<vmem>>
      %dma_start3A_553 = tpu.memref_squeeze %dma_start3A_552 : memref<1x128xi32, #tpu.memory_space<vmem>> -> memref<128xi32, #tpu.memory_space<vmem>>
      %dma_start3A_554 = arith.constant 0 : i32
      %dma_start3A_555 = tpu.memref_slice %arg11[%dma_start3A_554] : memref<1048576xf32, #tpu.memory_space<vmem_shared>> -> memref<1048576xf32, #tpu.memory_space<vmem_shared>>
      tpu.enqueue_indirect_dma source(%dma_start3A_550 : memref<128xf32, #tpu.memory_space<vmem>>) target(%dma_start3A_555 : memref<1048576xf32, #tpu.memory_space<vmem_shared>>) offsets(%dma_start3A_553 : memref<128xi32, #tpu.memory_space<vmem>>) semaphore(%run_scoped3A_548 : memref<!tpu.dma_semaphore, #tpu.memory_space<semaphore_mem>>) {add = true}
      %dma_wait3A_556 = arith.constant 384 : i32
      %dma_wait3A_557 = tpu.memref_slice %arg8[%dma_wait3A_556] : memref<512xf32, #tpu.memory_space<vmem>> -> memref<128xf32, #tpu.memory_space<vmem>>
      %dma_wait3A_558 = arith.constant 0 : i32
      %dma_wait3A_559 = tpu.memref_slice %arg9[%run_scoped3A_538, %dma_wait3A_558] : memref<4x128xi32, #tpu.memory_space<vmem>> -> memref<1x128xi32, #tpu.memory_space<vmem>>
      %dma_wait3A_560 = tpu.memref_squeeze %dma_wait3A_559 : memref<1x128xi32, #tpu.memory_space<vmem>> -> memref<128xi32, #tpu.memory_space<vmem>>
      %dma_wait3A_561 = arith.constant 0 : i32
      %dma_wait3A_562 = tpu.memref_slice %arg11[%dma_wait3A_561] : memref<1048576xf32, #tpu.memory_space<vmem_shared>> -> memref<1048576xf32, #tpu.memory_space<vmem_shared>>
      tpu.wait_indirect_dma semaphore(%run_scoped3A_548 : memref<!tpu.dma_semaphore, #tpu.memory_space<semaphore_mem>>) src(%dma_wait3A_557 : memref<128xf32, #tpu.memory_space<vmem>>) dst(%dma_wait3A_562 : memref<1048576xf32, #tpu.memory_space<vmem_shared>>)
      tpu.yield
    }) : () -> ()
    %barrier3A_539 = arith.constant 0 : index
    tpu.barrier barrier_id(%barrier3A_539)
    %mul3A_540 = arith.constant 65536 : i32
    %mul3A_541 = arith.muli %arg1, %mul3A_540 : i32
    %add3A_542 = arith.constant 0 : i32
    %add3A_543 = arith.addi %mul3A_541, %add3A_542 : i32
    "tpu.region"() ({
      %run_scoped3A_548 = tpu.sem_alloc : memref<!tpu.dma_semaphore, #tpu.memory_space<semaphore_mem>>
      %dma_start3A_549 = tpu.memref_slice %arg11[%add3A_543] : memref<1048576xf32, #tpu.memory_space<vmem_shared>> -> memref<32768xf32, #tpu.memory_space<vmem_shared>>
      %dma_start3A_550 = tpu.memref_slice %arg11[%add3A_543] : memref<1048576xf32, #tpu.memory_space<vmem_shared>> -> memref<32768xf32, #tpu.memory_space<vmem_shared>>
      tpu.enqueue_dma source(%dma_start3A_550 : memref<32768xf32, #tpu.memory_space<vmem_shared>>) target(%arg10 : memref<32768xf32, #tpu.memory_space<vmem>>) target_semaphore(%run_scoped3A_548 : memref<!tpu.dma_semaphore, #tpu.memory_space<semaphore_mem>>)
      %dma_wait3A_551 = tpu.memref_slice %arg11[%add3A_543] : memref<1048576xf32, #tpu.memory_space<vmem_shared>> -> memref<32768xf32, #tpu.memory_space<vmem_shared>>
      %dma_wait3A_552 = tpu.memref_slice %arg11[%add3A_543] : memref<1048576xf32, #tpu.memory_space<vmem_shared>> -> memref<32768xf32, #tpu.memory_space<vmem_shared>>
      tpu.wait_dma2 semaphore(%run_scoped3A_548 : memref<!tpu.dma_semaphore, #tpu.memory_space<semaphore_mem>>) src(%dma_wait3A_552 : memref<32768xf32, #tpu.memory_space<vmem_shared>>) dst(%arg10 : memref<32768xf32, #tpu.memory_space<vmem>>)
      tpu.yield
    }) : () -> ()
    "tpu.region"() ({
      %run_scoped3A_548 = tpu.sem_alloc : memref<!tpu.dma_semaphore, #tpu.memory_space<semaphore_mem>>
      %dma_start3A_549 = arith.constant 0 : i32
      %dma_start3A_550 = tpu.memref_slice %arg5[%arg0, %arg1, %dma_start3A_549] : memref<2x16x65536xf32, #tpu.memory_space<hbm>> -> memref<1x1x32768xf32, #tpu.memory_space<hbm>>
      %dma_start3A_551 = tpu.memref_squeeze %dma_start3A_550 : memref<1x1x32768xf32, #tpu.memory_space<hbm>> -> memref<32768xf32, #tpu.memory_space<hbm>>
      %dma_start3A_552 = arith.constant 0 : i32
      %dma_start3A_553 = tpu.memref_slice %arg5[%arg0, %arg1, %dma_start3A_552] : memref<2x16x65536xf32, #tpu.memory_space<hbm>> -> memref<1x1x32768xf32, #tpu.memory_space<hbm>>
      %dma_start3A_554 = tpu.memref_squeeze %dma_start3A_553 : memref<1x1x32768xf32, #tpu.memory_space<hbm>> -> memref<32768xf32, #tpu.memory_space<hbm>>
      tpu.enqueue_dma source(%arg10 : memref<32768xf32, #tpu.memory_space<vmem>>) target(%dma_start3A_554 : memref<32768xf32, #tpu.memory_space<hbm>>) target_semaphore(%run_scoped3A_548 : memref<!tpu.dma_semaphore, #tpu.memory_space<semaphore_mem>>)
      %dma_wait3A_555 = arith.constant 0 : i32
      %dma_wait3A_556 = tpu.memref_slice %arg5[%arg0, %arg1, %dma_wait3A_555] : memref<2x16x65536xf32, #tpu.memory_space<hbm>> -> memref<1x1x32768xf32, #tpu.memory_space<hbm>>
      %dma_wait3A_557 = tpu.memref_squeeze %dma_wait3A_556 : memref<1x1x32768xf32, #tpu.memory_space<hbm>> -> memref<32768xf32, #tpu.memory_space<hbm>>
      %dma_wait3A_558 = arith.constant 0 : i32
      %dma_wait3A_559 = tpu.memref_slice %arg5[%arg0, %arg1, %dma_wait3A_558] : memref<2x16x65536xf32, #tpu.memory_space<hbm>> -> memref<1x1x32768xf32, #tpu.memory_space<hbm>>
      %dma_wait3A_560 = tpu.memref_squeeze %dma_wait3A_559 : memref<1x1x32768xf32, #tpu.memory_space<hbm>> -> memref<32768xf32, #tpu.memory_space<hbm>>
      tpu.wait_dma2 semaphore(%run_scoped3A_548 : memref<!tpu.dma_semaphore, #tpu.memory_space<semaphore_mem>>) src(%arg10 : memref<32768xf32, #tpu.memory_space<vmem>>) dst(%dma_wait3A_560 : memref<32768xf32, #tpu.memory_space<hbm>>)
      tpu.yield
    }) : () -> ()
    %mul3A_544 = arith.constant 65536 : i32
    %mul3A_545 = arith.muli %arg1, %mul3A_544 : i32
    %add3A_546 = arith.constant 32768 : i32
    %add3A_547 = arith.addi %mul3A_545, %add3A_546 : i32
    "tpu.region"() ({
      %run_scoped3A_548 = tpu.sem_alloc : memref<!tpu.dma_semaphore, #tpu.memory_space<semaphore_mem>>
      %dma_start3A_549 = tpu.memref_slice %arg11[%add3A_547] : memref<1048576xf32, #tpu.memory_space<vmem_shared>> -> memref<32768xf32, #tpu.memory_space<vmem_shared>>
      %dma_start3A_550 = tpu.memref_slice %arg11[%add3A_547] : memref<1048576xf32, #tpu.memory_space<vmem_shared>> -> memref<32768xf32, #tpu.memory_space<vmem_shared>>
      tpu.enqueue_dma source(%dma_start3A_550 : memref<32768xf32, #tpu.memory_space<vmem_shared>>) target(%arg10 : memref<32768xf32, #tpu.memory_space<vmem>>) target_semaphore(%run_scoped3A_548 : memref<!tpu.dma_semaphore, #tpu.memory_space<semaphore_mem>>)
      %dma_wait3A_551 = tpu.memref_slice %arg11[%add3A_547] : memref<1048576xf32, #tpu.memory_space<vmem_shared>> -> memref<32768xf32, #tpu.memory_space<vmem_shared>>
      %dma_wait3A_552 = tpu.memref_slice %arg11[%add3A_547] : memref<1048576xf32, #tpu.memory_space<vmem_shared>> -> memref<32768xf32, #tpu.memory_space<vmem_shared>>
      tpu.wait_dma2 semaphore(%run_scoped3A_548 : memref<!tpu.dma_semaphore, #tpu.memory_space<semaphore_mem>>) src(%dma_wait3A_552 : memref<32768xf32, #tpu.memory_space<vmem_shared>>) dst(%arg10 : memref<32768xf32, #tpu.memory_space<vmem>>)
      tpu.yield
    }) : () -> ()
    "tpu.region"() ({
      %run_scoped3A_548 = tpu.sem_alloc : memref<!tpu.dma_semaphore, #tpu.memory_space<semaphore_mem>>
      %dma_start3A_549 = arith.constant 32768 : i32
      %dma_start3A_550 = tpu.memref_slice %arg5[%arg0, %arg1, %dma_start3A_549] : memref<2x16x65536xf32, #tpu.memory_space<hbm>> -> memref<1x1x32768xf32, #tpu.memory_space<hbm>>
      %dma_start3A_551 = tpu.memref_squeeze %dma_start3A_550 : memref<1x1x32768xf32, #tpu.memory_space<hbm>> -> memref<32768xf32, #tpu.memory_space<hbm>>
      %dma_start3A_552 = arith.constant 32768 : i32
      %dma_start3A_553 = tpu.memref_slice %arg5[%arg0, %arg1, %dma_start3A_552] : memref<2x16x65536xf32, #tpu.memory_space<hbm>> -> memref<1x1x32768xf32, #tpu.memory_space<hbm>>
      %dma_start3A_554 = tpu.memref_squeeze %dma_start3A_553 : memref<1x1x32768xf32, #tpu.memory_space<hbm>> -> memref<32768xf32, #tpu.memory_space<hbm>>
      tpu.enqueue_dma source(%arg10 : memref<32768xf32, #tpu.memory_space<vmem>>) target(%dma_start3A_554 : memref<32768xf32, #tpu.memory_space<hbm>>) target_semaphore(%run_scoped3A_548 : memref<!tpu.dma_semaphore, #tpu.memory_space<semaphore_mem>>)
      %dma_wait3A_555 = arith.constant 32768 : i32
      %dma_wait3A_556 = tpu.memref_slice %arg5[%arg0, %arg1, %dma_wait3A_555] : memref<2x16x65536xf32, #tpu.memory_space<hbm>> -> memref<1x1x32768xf32, #tpu.memory_space<hbm>>
      %dma_wait3A_557 = tpu.memref_squeeze %dma_wait3A_556 : memref<1x1x32768xf32, #tpu.memory_space<hbm>> -> memref<32768xf32, #tpu.memory_space<hbm>>
      %dma_wait3A_558 = arith.constant 32768 : i32
      %dma_wait3A_559 = tpu.memref_slice %arg5[%arg0, %arg1, %dma_wait3A_558] : memref<2x16x65536xf32, #tpu.memory_space<hbm>> -> memref<1x1x32768xf32, #tpu.memory_space<hbm>>
      %dma_wait3A_560 = tpu.memref_squeeze %dma_wait3A_559 : memref<1x1x32768xf32, #tpu.memory_space<hbm>> -> memref<32768xf32, #tpu.memory_space<hbm>>
      tpu.wait_dma2 semaphore(%run_scoped3A_548 : memref<!tpu.dma_semaphore, #tpu.memory_space<semaphore_mem>>) src(%arg10 : memref<32768xf32, #tpu.memory_space<vmem>>) dst(%dma_wait3A_560 : memref<32768xf32, #tpu.memory_space<hbm>>)
      tpu.yield
    }) : () -> ()
    return
  }
}

module attributes {stable_mosaic.version = 14 : i64} {
  func.func @_prep_body(%arg0: memref<2x16x65536xf32, #tpu.memory_space<vmem>>, %arg1: memref<1024x1000xbf16, #tpu.memory_space<vmem>>) attributes {dimension_semantics = [], scalar_prefetch = 0 : i64, scratch_operands = 0 : i64, tpu.core_type = #tpu.core_type<tc>} {
    %get3A = arith.constant 0 : index
    %get3A_0 = arith.constant 0 : index
    %get3A_1 = arith.constant 0 : index
    %get3A_2 = vector.load %arg0[%get3A, %get3A_0, %get3A_1] : memref<2x16x65536xf32, #tpu.memory_space<vmem>>, vector<1x16x65536xf32>
    %get3A_3 = vector.shape_cast %get3A_2 : vector<1x16x65536xf32> to vector<16x65536xf32>
    %get3A_4 = arith.constant 1 : index
    %get3A_5 = arith.constant 0 : index
    %get3A_6 = arith.constant 0 : index
    %get3A_7 = vector.load %arg0[%get3A_4, %get3A_5, %get3A_6] : memref<2x16x65536xf32, #tpu.memory_space<vmem>>, vector<1x16x65536xf32>
    %get3A_8 = vector.shape_cast %get3A_7 : vector<1x16x65536xf32> to vector<16x65536xf32>
    %add3A = arith.addf %get3A_3, %get3A_8 : vector<16x65536xf32>
    %reshape3A = vector.shape_cast %add3A : vector<16x65536xf32> to vector<1024x1024xf32>
    %slice3A = vector.extract_strided_slice %reshape3A {offsets = [0, 0], sizes = [1000, 1000], strides = [1, 1]} : vector<1024x1024xf32> to vector<1000x1000xf32>
    %reduce_sum3A = arith.constant dense<0.000000e+00> : vector<1000xf32>
    %reduce_sum3A_9 = vector.multi_reduction <add>, %slice3A, %reduce_sum3A [1] : vector<1000x1000xf32> to vector<1000xf32>
    %add3A_10 = arith.constant 1.000000e+00 : f32
    %add3A_11 = vector.broadcast %add3A_10 : f32 to vector<1000xf32>
    %add3A_12 = arith.addf %reduce_sum3A_9, %add3A_11 : vector<1000xf32>
    %rsqrt3A = math.rsqrt %add3A_12 : vector<1000xf32>
    %broadcast_in_dim3A = vector.shape_cast %rsqrt3A : vector<1000xf32> to vector<1000x1xf32>
    %broadcast_in_dim3A_13 = vector.shape_cast %rsqrt3A : vector<1000xf32> to vector<1x1000xf32>
    %mul3A = vector.broadcast %broadcast_in_dim3A : vector<1000x1xf32> to vector<1000x1000xf32>
    %mul3A_14 = vector.broadcast %broadcast_in_dim3A_13 : vector<1x1000xf32> to vector<1000x1000xf32>
    %mul3A_15 = arith.mulf %mul3A, %mul3A_14 : vector<1000x1000xf32>
    %iota3A = tpu.iota {dimensions = array<i32: 0>} : vector<1000x1000xi32>
    %iota3A_16 = tpu.iota {dimensions = array<i32: 1>} : vector<1000x1000xi32>
    %eq3A = arith.cmpi eq, %iota3A, %iota3A_16 : vector<1000x1000xi32>
    %convert_element_type3A = arith.extui %eq3A : vector<1000x1000xi1> to vector<1000x1000xi32>
    %convert_element_type3A_17 = arith.sitofp %convert_element_type3A : vector<1000x1000xi32> to vector<1000x1000xf32>
    %add3A_18 = arith.addf %slice3A, %convert_element_type3A_17 : vector<1000x1000xf32>
    %mul3A_19 = arith.mulf %add3A_18, %mul3A_15 : vector<1000x1000xf32>
    %convert_element_type3A_20 = arith.truncf %mul3A_19 : vector<1000x1000xf32> to vector<1000x1000xbf16>
    %iota3A_21 = tpu.iota {dimensions = array<i32: 0>} : vector<1024x1000xi32>
    %iota3A_22 = tpu.iota {dimensions = array<i32: 1>} : vector<1024x1000xi32>
    %jit3A = arith.constant 256 : i32
    %eq3A_23 = arith.constant 0 : i32
    %eq3A_24 = arith.cmpi eq, %jit3A, %eq3A_23 : i32
    %jit3A_25 = arith.constant 1 : i32
    %select_n3A = arith.select %eq3A_24, %jit3A_25, %jit3A : i32
    %rem3A = vector.broadcast %select_n3A : i32 to vector<1024x1000xi32>
    %rem3A_26 = arith.remsi %iota3A_21, %rem3A : vector<1024x1000xi32>
    %ne3A = arith.constant 0 : i32
    %ne3A_27 = vector.broadcast %ne3A : i32 to vector<1024x1000xi32>
    %ne3A_28 = arith.cmpi ne, %rem3A_26, %ne3A_27 : vector<1024x1000xi32>
    %lt3A = arith.constant 0 : i32
    %lt3A_29 = vector.broadcast %lt3A : i32 to vector<1024x1000xi32>
    %lt3A_30 = arith.cmpi slt, %rem3A_26, %lt3A_29 : vector<1024x1000xi32>
    %lt3A_31 = arith.constant 0 : i32
    %lt3A_32 = arith.cmpi slt, %select_n3A, %lt3A_31 : i32
    %ne3A_33 = vector.broadcast %lt3A_32 : i1 to vector<1024x1000xi1>
    %ne3A_34 = vector.broadcast %ne3A_33 : vector<1024x1000xi1> to vector<1024x1000xi1>
    %ne3A_35 = arith.xori %lt3A_30, %ne3A_34 : vector<1024x1000xi1>
    %and3A = arith.andi %ne3A_35, %ne3A_28 : vector<1024x1000xi1>
    %add3A_36 = vector.broadcast %select_n3A : i32 to vector<1024x1000xi32>
    %add3A_37 = arith.addi %rem3A_26, %add3A_36 : vector<1024x1000xi32>
    %select_n3A_38 = arith.select %and3A, %add3A_37, %rem3A_26 : vector<1024x1000xi1>, vector<1024x1000xi32>
    %mul3A_39 = arith.constant 4 : i32
    %mul3A_40 = vector.broadcast %mul3A_39 : i32 to vector<1024x1000xi32>
    %mul3A_41 = arith.muli %mul3A_40, %select_n3A_38 : vector<1024x1000xi32>
    %jit3A_42 = arith.constant 256 : i32
    %div3A = vector.broadcast %jit3A_42 : i32 to vector<1024x1000xi32>
    %div3A_43 = arith.divsi %iota3A_21, %div3A : vector<1024x1000xi32>
    %sign3A = arith.constant 0 : i32
    %sign3A_44 = vector.broadcast %sign3A : i32 to vector<1024x1000xi32>
    %sign3A_45 = arith.cmpi sgt, %iota3A_21, %sign3A_44 : vector<1024x1000xi32>
    %sign3A_46 = arith.extui %sign3A_45 : vector<1024x1000xi1> to vector<1024x1000xi32>
    %sign3A_47 = arith.constant 0 : i32
    %sign3A_48 = vector.broadcast %sign3A_47 : i32 to vector<1024x1000xi32>
    %sign3A_49 = arith.cmpi slt, %iota3A_21, %sign3A_48 : vector<1024x1000xi32>
    %sign3A_50 = arith.extui %sign3A_49 : vector<1024x1000xi1> to vector<1024x1000xi32>
    %sign3A_51 = arith.subi %sign3A_46, %sign3A_50 : vector<1024x1000xi32>
    %sign3A_52 = arith.constant 0 : i32
    %sign3A_53 = arith.cmpi sgt, %jit3A_42, %sign3A_52 : i32
    %sign3A_54 = arith.extui %sign3A_53 : i1 to i32
    %sign3A_55 = arith.constant 0 : i32
    %sign3A_56 = arith.cmpi slt, %jit3A_42, %sign3A_55 : i32
    %sign3A_57 = arith.extui %sign3A_56 : i1 to i32
    %sign3A_58 = arith.subi %sign3A_54, %sign3A_57 : i32
    %ne3A_59 = vector.broadcast %sign3A_58 : i32 to vector<1024x1000xi32>
    %ne3A_60 = arith.cmpi ne, %sign3A_51, %ne3A_59 : vector<1024x1000xi32>
    %rem3A_61 = vector.broadcast %jit3A_42 : i32 to vector<1024x1000xi32>
    %rem3A_62 = arith.remsi %iota3A_21, %rem3A_61 : vector<1024x1000xi32>
    %ne3A_63 = arith.constant 0 : i32
    %ne3A_64 = vector.broadcast %ne3A_63 : i32 to vector<1024x1000xi32>
    %ne3A_65 = arith.cmpi ne, %rem3A_62, %ne3A_64 : vector<1024x1000xi32>
    %and3A_66 = arith.andi %ne3A_60, %ne3A_65 : vector<1024x1000xi1>
    %sub3A = arith.constant 1 : i32
    %sub3A_67 = vector.broadcast %sub3A : i32 to vector<1024x1000xi32>
    %sub3A_68 = arith.subi %div3A_43, %sub3A_67 : vector<1024x1000xi32>
    %select_n3A_69 = arith.select %and3A_66, %sub3A_68, %div3A_43 : vector<1024x1000xi1>, vector<1024x1000xi32>
    %add3A_70 = arith.addi %mul3A_41, %select_n3A_69 : vector<1024x1000xi32>
    %eq3A_71 = arith.cmpi eq, %iota3A_22, %add3A_70 : vector<1024x1000xi32>
    %jit3A_72 = arith.constant 256 : i32
    %eq3A_73 = arith.constant 0 : i32
    %eq3A_74 = arith.cmpi eq, %jit3A_72, %eq3A_73 : i32
    %jit3A_75 = arith.constant 1 : i32
    %select_n3A_76 = arith.select %eq3A_74, %jit3A_75, %jit3A_72 : i32
    %rem3A_77 = vector.broadcast %select_n3A_76 : i32 to vector<1024x1000xi32>
    %rem3A_78 = arith.remsi %iota3A_21, %rem3A_77 : vector<1024x1000xi32>
    %ne3A_79 = arith.constant 0 : i32
    %ne3A_80 = vector.broadcast %ne3A_79 : i32 to vector<1024x1000xi32>
    %ne3A_81 = arith.cmpi ne, %rem3A_78, %ne3A_80 : vector<1024x1000xi32>
    %lt3A_82 = arith.constant 0 : i32
    %lt3A_83 = vector.broadcast %lt3A_82 : i32 to vector<1024x1000xi32>
    %lt3A_84 = arith.cmpi slt, %rem3A_78, %lt3A_83 : vector<1024x1000xi32>
    %lt3A_85 = arith.constant 0 : i32
    %lt3A_86 = arith.cmpi slt, %select_n3A_76, %lt3A_85 : i32
    %ne3A_87 = vector.broadcast %lt3A_86 : i1 to vector<1024x1000xi1>
    %ne3A_88 = vector.broadcast %ne3A_87 : vector<1024x1000xi1> to vector<1024x1000xi1>
    %ne3A_89 = arith.xori %lt3A_84, %ne3A_88 : vector<1024x1000xi1>
    %and3A_90 = arith.andi %ne3A_89, %ne3A_81 : vector<1024x1000xi1>
    %add3A_91 = vector.broadcast %select_n3A_76 : i32 to vector<1024x1000xi32>
    %add3A_92 = arith.addi %rem3A_78, %add3A_91 : vector<1024x1000xi32>
    %select_n3A_93 = arith.select %and3A_90, %add3A_92, %rem3A_78 : vector<1024x1000xi1>, vector<1024x1000xi32>
    %lt3A_94 = arith.constant 250 : i32
    %lt3A_95 = vector.broadcast %lt3A_94 : i32 to vector<1024x1000xi32>
    %lt3A_96 = arith.cmpi slt, %select_n3A_93, %lt3A_95 : vector<1024x1000xi32>
    %and3A_97 = arith.andi %eq3A_71, %lt3A_96 : vector<1024x1000xi1>
    %convert_element_type3A_98 = arith.extui %and3A_97 : vector<1024x1000xi1> to vector<1024x1000xi32>
    %convert_element_type3A_99 = arith.sitofp %convert_element_type3A_98 : vector<1024x1000xi32> to vector<1024x1000xf32>
    %convert_element_type3A_100 = arith.truncf %convert_element_type3A_99 : vector<1024x1000xf32> to vector<1024x1000xbf16>
    %dot_general3A = arith.constant dense<0.000000e+00> : vector<1024x1000xf32>
    %dot_general3A_101 = tpu.matmul %convert_element_type3A_100, %convert_element_type3A_20, %dot_general3A {dimension_numbers = #tpu.dot_dimension_numbers<[1], [0], [0], [1], [0, 0, 1, 1], [], []>, transpose_lhs_hint = false} : vector<1024x1000xbf16>, vector<1000x1000xbf16>, vector<1024x1000xf32> -> vector<1024x1000xf32>
    %convert_element_type3A_102 = arith.truncf %dot_general3A_101 : vector<1024x1000xf32> to vector<1024x1000xbf16>
    %swap3A = arith.constant 0 : index
    %swap3A_103 = arith.constant 0 : index
    %swap3A_104 = vector.load %arg1[%swap3A, %swap3A_103] : memref<1024x1000xbf16, #tpu.memory_space<vmem>>, vector<1024x1000xbf16>
    tpu.vector_store %arg1[%swap3A, %swap3A_103], %convert_element_type3A_102 {strides = array<i32>} : memref<1024x1000xbf16, #tpu.memory_space<vmem>>, vector<1024x1000xbf16>,
    return
  }
}

module attributes {stable_mosaic.version = 14 : i64} {
  func.func @_main_body(%arg0: i32, %arg1: memref<2x10x1000x64xf32, #tpu.memory_space<vmem>>, %arg2: memref<64x32xf32, #tpu.memory_space<vmem>>, %arg3: memref<32xf32, #tpu.memory_space<vmem>>, %arg4: memref<100xf32, #tpu.memory_space<smem>>, %arg5: memref<100xf32, #tpu.memory_space<smem>>, %arg6: memref<1024x1000xbf16, #tpu.memory_space<vmem>>, %arg7: memref<2x10x250x128xf32, #tpu.memory_space<vmem>>) attributes {dimension_semantics = [#tpu.dimension_semantics<arbitrary>], iteration_bounds = array<i64: 10>, scalar_prefetch = 0 : i64, scratch_operands = 0 : i64, tpu.core_type = #tpu.core_type<tc>, window_params = [{transform_indices = @transform_0, window_bounds = array<i64: 2, 10, 1000, 64>}, {pipeline_mode = #tpu.pipeline_mode<synchronous>, transform_indices = @transform_1, window_bounds = array<i64: 64, 32>}, {pipeline_mode = #tpu.pipeline_mode<synchronous>, transform_indices = @transform_2, window_bounds = array<i64: 32>}, {transform_indices = @transform_3, window_bounds = array<i64: 100>}, {transform_indices = @transform_4, window_bounds = array<i64: 100>}, {pipeline_mode = #tpu.pipeline_mode<synchronous>, transform_indices = @transform_5, window_bounds = array<i64: 1024, 1000>}, {transform_indices = @transform_6, window_bounds = array<i64: 2, 10, 250, 128>}]} {
    %get3A = arith.constant 0 : index
    %get3A_0 = arith.constant 0 : index
    %get3A_1 = vector.load %arg2[%get3A, %get3A_0] : memref<64x32xf32, #tpu.memory_space<vmem>>, vector<64x32xf32>
    %get3A_2 = arith.constant 0 : index
    %get3A_3 = arith.constant 0 : index
    %get3A_4 = arith.constant 0 : index
    %get3A_5 = arith.constant 0 : index
    %get3A_6 = vector.load %arg1[%get3A_2, %get3A_3, %get3A_4, %get3A_5] : memref<2x10x1000x64xf32, #tpu.memory_space<vmem>>, vector<1x1x1000x64xf32>
    %get3A_7 = vector.shape_cast %get3A_6 : vector<1x1x1000x64xf32> to vector<1000x64xf32>
    %dot_general3A = arith.constant dense<0.000000e+00> : vector<1000x32xf32>
    %dot_general3A_8 = tpu.matmul %get3A_7, %get3A_1, %dot_general3A {dimension_numbers = #tpu.dot_dimension_numbers<[1], [0], [0], [1], [0, 0, 1, 1], [], []>, transpose_lhs_hint = false} : vector<1000x64xf32>, vector<64x32xf32>, vector<1000x32xf32> -> vector<1000x32xf32>
    %get3A_9 = arith.constant 1 : index
    %get3A_10 = arith.constant 0 : index
    %get3A_11 = arith.constant 0 : index
    %get3A_12 = arith.constant 0 : index
    %get3A_13 = vector.load %arg1[%get3A_9, %get3A_10, %get3A_11, %get3A_12] : memref<2x10x1000x64xf32, #tpu.memory_space<vmem>>, vector<1x1x1000x64xf32>
    %get3A_14 = vector.shape_cast %get3A_13 : vector<1x1x1000x64xf32> to vector<1000x64xf32>
    %dot_general3A_15 = arith.constant dense<0.000000e+00> : vector<1000x32xf32>
    %dot_general3A_16 = tpu.matmul %get3A_14, %get3A_1, %dot_general3A_15 {dimension_numbers = #tpu.dot_dimension_numbers<[1], [0], [0], [1], [0, 0, 1, 1], [], []>, transpose_lhs_hint = false} : vector<1000x64xf32>, vector<64x32xf32>, vector<1000x32xf32> -> vector<1000x32xf32>
    %get3A_17 = arith.constant 0 : index
    %get3A_18 = arith.constant 1 : index
    %get3A_19 = arith.constant 0 : index
    %get3A_20 = arith.constant 0 : index
    %get3A_21 = vector.load %arg1[%get3A_17, %get3A_18, %get3A_19, %get3A_20] : memref<2x10x1000x64xf32, #tpu.memory_space<vmem>>, vector<1x1x1000x64xf32>
    %get3A_22 = vector.shape_cast %get3A_21 : vector<1x1x1000x64xf32> to vector<1000x64xf32>
    %dot_general3A_23 = arith.constant dense<0.000000e+00> : vector<1000x32xf32>
    %dot_general3A_24 = tpu.matmul %get3A_22, %get3A_1, %dot_general3A_23 {dimension_numbers = #tpu.dot_dimension_numbers<[1], [0], [0], [1], [0, 0, 1, 1], [], []>, transpose_lhs_hint = false} : vector<1000x64xf32>, vector<64x32xf32>, vector<1000x32xf32> -> vector<1000x32xf32>
    %get3A_25 = arith.constant 1 : index
    %get3A_26 = arith.constant 1 : index
    %get3A_27 = arith.constant 0 : index
    %get3A_28 = arith.constant 0 : index
    %get3A_29 = vector.load %arg1[%get3A_25, %get3A_26, %get3A_27, %get3A_28] : memref<2x10x1000x64xf32, #tpu.memory_space<vmem>>, vector<1x1x1000x64xf32>
    %get3A_30 = vector.shape_cast %get3A_29 : vector<1x1x1000x64xf32> to vector<1000x64xf32>
    %dot_general3A_31 = arith.constant dense<0.000000e+00> : vector<1000x32xf32>
    %dot_general3A_32 = tpu.matmul %get3A_30, %get3A_1, %dot_general3A_31 {dimension_numbers = #tpu.dot_dimension_numbers<[1], [0], [0], [1], [0, 0, 1, 1], [], []>, transpose_lhs_hint = false} : vector<1000x64xf32>, vector<64x32xf32>, vector<1000x32xf32> -> vector<1000x32xf32>
    %get3A_33 = arith.constant 0 : index
    %get3A_34 = arith.constant 2 : index
    %get3A_35 = arith.constant 0 : index
    %get3A_36 = arith.constant 0 : index
    %get3A_37 = vector.load %arg1[%get3A_33, %get3A_34, %get3A_35, %get3A_36] : memref<2x10x1000x64xf32, #tpu.memory_space<vmem>>, vector<1x1x1000x64xf32>
    %get3A_38 = vector.shape_cast %get3A_37 : vector<1x1x1000x64xf32> to vector<1000x64xf32>
    %dot_general3A_39 = arith.constant dense<0.000000e+00> : vector<1000x32xf32>
    %dot_general3A_40 = tpu.matmul %get3A_38, %get3A_1, %dot_general3A_39 {dimension_numbers = #tpu.dot_dimension_numbers<[1], [0], [0], [1], [0, 0, 1, 1], [], []>, transpose_lhs_hint = false} : vector<1000x64xf32>, vector<64x32xf32>, vector<1000x32xf32> -> vector<1000x32xf32>
    %get3A_41 = arith.constant 1 : index
    %get3A_42 = arith.constant 2 : index
    %get3A_43 = arith.constant 0 : index
    %get3A_44 = arith.constant 0 : index
    %get3A_45 = vector.load %arg1[%get3A_41, %get3A_42, %get3A_43, %get3A_44] : memref<2x10x1000x64xf32, #tpu.memory_space<vmem>>, vector<1x1x1000x64xf32>
    %get3A_46 = vector.shape_cast %get3A_45 : vector<1x1x1000x64xf32> to vector<1000x64xf32>
    %dot_general3A_47 = arith.constant dense<0.000000e+00> : vector<1000x32xf32>
    %dot_general3A_48 = tpu.matmul %get3A_46, %get3A_1, %dot_general3A_47 {dimension_numbers = #tpu.dot_dimension_numbers<[1], [0], [0], [1], [0, 0, 1, 1], [], []>, transpose_lhs_hint = false} : vector<1000x64xf32>, vector<64x32xf32>, vector<1000x32xf32> -> vector<1000x32xf32>
    %get3A_49 = arith.constant 0 : index
    %get3A_50 = arith.constant 3 : index
    %get3A_51 = arith.constant 0 : index
    %get3A_52 = arith.constant 0 : index
    %get3A_53 = vector.load %arg1[%get3A_49, %get3A_50, %get3A_51, %get3A_52] : memref<2x10x1000x64xf32, #tpu.memory_space<vmem>>, vector<1x1x1000x64xf32>
    %get3A_54 = vector.shape_cast %get3A_53 : vector<1x1x1000x64xf32> to vector<1000x64xf32>
    %dot_general3A_55 = arith.constant dense<0.000000e+00> : vector<1000x32xf32>
    %dot_general3A_56 = tpu.matmul %get3A_54, %get3A_1, %dot_general3A_55 {dimension_numbers = #tpu.dot_dimension_numbers<[1], [0], [0], [1], [0, 0, 1, 1], [], []>, transpose_lhs_hint = false} : vector<1000x64xf32>, vector<64x32xf32>, vector<1000x32xf32> -> vector<1000x32xf32>
    %get3A_57 = arith.constant 1 : index
    %get3A_58 = arith.constant 3 : index
    %get3A_59 = arith.constant 0 : index
    %get3A_60 = arith.constant 0 : index
    %get3A_61 = vector.load %arg1[%get3A_57, %get3A_58, %get3A_59, %get3A_60] : memref<2x10x1000x64xf32, #tpu.memory_space<vmem>>, vector<1x1x1000x64xf32>
    %get3A_62 = vector.shape_cast %get3A_61 : vector<1x1x1000x64xf32> to vector<1000x64xf32>
    %dot_general3A_63 = arith.constant dense<0.000000e+00> : vector<1000x32xf32>
    %dot_general3A_64 = tpu.matmul %get3A_62, %get3A_1, %dot_general3A_63 {dimension_numbers = #tpu.dot_dimension_numbers<[1], [0], [0], [1], [0, 0, 1, 1], [], []>, transpose_lhs_hint = false} : vector<1000x64xf32>, vector<64x32xf32>, vector<1000x32xf32> -> vector<1000x32xf32>
    %get3A_65 = arith.constant 0 : index
    %get3A_66 = arith.constant 4 : index
    %get3A_67 = arith.constant 0 : index
    %get3A_68 = arith.constant 0 : index
    %get3A_69 = vector.load %arg1[%get3A_65, %get3A_66, %get3A_67, %get3A_68] : memref<2x10x1000x64xf32, #tpu.memory_space<vmem>>, vector<1x1x1000x64xf32>
    %get3A_70 = vector.shape_cast %get3A_69 : vector<1x1x1000x64xf32> to vector<1000x64xf32>
    %dot_general3A_71 = arith.constant dense<0.000000e+00> : vector<1000x32xf32>
    %dot_general3A_72 = tpu.matmul %get3A_70, %get3A_1, %dot_general3A_71 {dimension_numbers = #tpu.dot_dimension_numbers<[1], [0], [0], [1], [0, 0, 1, 1], [], []>, transpose_lhs_hint = false} : vector<1000x64xf32>, vector<64x32xf32>, vector<1000x32xf32> -> vector<1000x32xf32>
    %get3A_73 = arith.constant 1 : index
    %get3A_74 = arith.constant 4 : index
    %get3A_75 = arith.constant 0 : index
    %get3A_76 = arith.constant 0 : index
    %get3A_77 = vector.load %arg1[%get3A_73, %get3A_74, %get3A_75, %get3A_76] : memref<2x10x1000x64xf32, #tpu.memory_space<vmem>>, vector<1x1x1000x64xf32>
    %get3A_78 = vector.shape_cast %get3A_77 : vector<1x1x1000x64xf32> to vector<1000x64xf32>
    %dot_general3A_79 = arith.constant dense<0.000000e+00> : vector<1000x32xf32>
    %dot_general3A_80 = tpu.matmul %get3A_78, %get3A_1, %dot_general3A_79 {dimension_numbers = #tpu.dot_dimension_numbers<[1], [0], [0], [1], [0, 0, 1, 1], [], []>, transpose_lhs_hint = false} : vector<1000x64xf32>, vector<64x32xf32>, vector<1000x32xf32> -> vector<1000x32xf32>
    %get3A_81 = arith.constant 0 : index
    %get3A_82 = arith.constant 5 : index
    %get3A_83 = arith.constant 0 : index
    %get3A_84 = arith.constant 0 : index
    %get3A_85 = vector.load %arg1[%get3A_81, %get3A_82, %get3A_83, %get3A_84] : memref<2x10x1000x64xf32, #tpu.memory_space<vmem>>, vector<1x1x1000x64xf32>
    %get3A_86 = vector.shape_cast %get3A_85 : vector<1x1x1000x64xf32> to vector<1000x64xf32>
    %dot_general3A_87 = arith.constant dense<0.000000e+00> : vector<1000x32xf32>
    %dot_general3A_88 = tpu.matmul %get3A_86, %get3A_1, %dot_general3A_87 {dimension_numbers = #tpu.dot_dimension_numbers<[1], [0], [0], [1], [0, 0, 1, 1], [], []>, transpose_lhs_hint = false} : vector<1000x64xf32>, vector<64x32xf32>, vector<1000x32xf32> -> vector<1000x32xf32>
    %get3A_89 = arith.constant 1 : index
    %get3A_90 = arith.constant 5 : index
    %get3A_91 = arith.constant 0 : index
    %get3A_92 = arith.constant 0 : index
    %get3A_93 = vector.load %arg1[%get3A_89, %get3A_90, %get3A_91, %get3A_92] : memref<2x10x1000x64xf32, #tpu.memory_space<vmem>>, vector<1x1x1000x64xf32>
    %get3A_94 = vector.shape_cast %get3A_93 : vector<1x1x1000x64xf32> to vector<1000x64xf32>
    %dot_general3A_95 = arith.constant dense<0.000000e+00> : vector<1000x32xf32>
    %dot_general3A_96 = tpu.matmul %get3A_94, %get3A_1, %dot_general3A_95 {dimension_numbers = #tpu.dot_dimension_numbers<[1], [0], [0], [1], [0, 0, 1, 1], [], []>, transpose_lhs_hint = false} : vector<1000x64xf32>, vector<64x32xf32>, vector<1000x32xf32> -> vector<1000x32xf32>
    %get3A_97 = arith.constant 0 : index
    %get3A_98 = arith.constant 6 : index
    %get3A_99 = arith.constant 0 : index
    %get3A_100 = arith.constant 0 : index
    %get3A_101 = vector.load %arg1[%get3A_97, %get3A_98, %get3A_99, %get3A_100] : memref<2x10x1000x64xf32, #tpu.memory_space<vmem>>, vector<1x1x1000x64xf32>
    %get3A_102 = vector.shape_cast %get3A_101 : vector<1x1x1000x64xf32> to vector<1000x64xf32>
    %dot_general3A_103 = arith.constant dense<0.000000e+00> : vector<1000x32xf32>
    %dot_general3A_104 = tpu.matmul %get3A_102, %get3A_1, %dot_general3A_103 {dimension_numbers = #tpu.dot_dimension_numbers<[1], [0], [0], [1], [0, 0, 1, 1], [], []>, transpose_lhs_hint = false} : vector<1000x64xf32>, vector<64x32xf32>, vector<1000x32xf32> -> vector<1000x32xf32>
    %get3A_105 = arith.constant 1 : index
    %get3A_106 = arith.constant 6 : index
    %get3A_107 = arith.constant 0 : index
    %get3A_108 = arith.constant 0 : index
    %get3A_109 = vector.load %arg1[%get3A_105, %get3A_106, %get3A_107, %get3A_108] : memref<2x10x1000x64xf32, #tpu.memory_space<vmem>>, vector<1x1x1000x64xf32>
    %get3A_110 = vector.shape_cast %get3A_109 : vector<1x1x1000x64xf32> to vector<1000x64xf32>
    %dot_general3A_111 = arith.constant dense<0.000000e+00> : vector<1000x32xf32>
    %dot_general3A_112 = tpu.matmul %get3A_110, %get3A_1, %dot_general3A_111 {dimension_numbers = #tpu.dot_dimension_numbers<[1], [0], [0], [1], [0, 0, 1, 1], [], []>, transpose_lhs_hint = false} : vector<1000x64xf32>, vector<64x32xf32>, vector<1000x32xf32> -> vector<1000x32xf32>
    %get3A_113 = arith.constant 0 : index
    %get3A_114 = arith.constant 7 : index
    %get3A_115 = arith.constant 0 : index
    %get3A_116 = arith.constant 0 : index
    %get3A_117 = vector.load %arg1[%get3A_113, %get3A_114, %get3A_115, %get3A_116] : memref<2x10x1000x64xf32, #tpu.memory_space<vmem>>, vector<1x1x1000x64xf32>
    %get3A_118 = vector.shape_cast %get3A_117 : vector<1x1x1000x64xf32> to vector<1000x64xf32>
    %dot_general3A_119 = arith.constant dense<0.000000e+00> : vector<1000x32xf32>
    %dot_general3A_120 = tpu.matmul %get3A_118, %get3A_1, %dot_general3A_119 {dimension_numbers = #tpu.dot_dimension_numbers<[1], [0], [0], [1], [0, 0, 1, 1], [], []>, transpose_lhs_hint = false} : vector<1000x64xf32>, vector<64x32xf32>, vector<1000x32xf32> -> vector<1000x32xf32>
    %get3A_121 = arith.constant 1 : index
    %get3A_122 = arith.constant 7 : index
    %get3A_123 = arith.constant 0 : index
    %get3A_124 = arith.constant 0 : index
    %get3A_125 = vector.load %arg1[%get3A_121, %get3A_122, %get3A_123, %get3A_124] : memref<2x10x1000x64xf32, #tpu.memory_space<vmem>>, vector<1x1x1000x64xf32>
    %get3A_126 = vector.shape_cast %get3A_125 : vector<1x1x1000x64xf32> to vector<1000x64xf32>
    %dot_general3A_127 = arith.constant dense<0.000000e+00> : vector<1000x32xf32>
    %dot_general3A_128 = tpu.matmul %get3A_126, %get3A_1, %dot_general3A_127 {dimension_numbers = #tpu.dot_dimension_numbers<[1], [0], [0], [1], [0, 0, 1, 1], [], []>, transpose_lhs_hint = false} : vector<1000x64xf32>, vector<64x32xf32>, vector<1000x32xf32> -> vector<1000x32xf32>
    %get3A_129 = arith.constant 0 : index
    %get3A_130 = arith.constant 8 : index
    %get3A_131 = arith.constant 0 : index
    %get3A_132 = arith.constant 0 : index
    %get3A_133 = vector.load %arg1[%get3A_129, %get3A_130, %get3A_131, %get3A_132] : memref<2x10x1000x64xf32, #tpu.memory_space<vmem>>, vector<1x1x1000x64xf32>
    %get3A_134 = vector.shape_cast %get3A_133 : vector<1x1x1000x64xf32> to vector<1000x64xf32>
    %dot_general3A_135 = arith.constant dense<0.000000e+00> : vector<1000x32xf32>
    %dot_general3A_136 = tpu.matmul %get3A_134, %get3A_1, %dot_general3A_135 {dimension_numbers = #tpu.dot_dimension_numbers<[1], [0], [0], [1], [0, 0, 1, 1], [], []>, transpose_lhs_hint = false} : vector<1000x64xf32>, vector<64x32xf32>, vector<1000x32xf32> -> vector<1000x32xf32>
    %get3A_137 = arith.constant 1 : index
    %get3A_138 = arith.constant 8 : index
    %get3A_139 = arith.constant 0 : index
    %get3A_140 = arith.constant 0 : index
    %get3A_141 = vector.load %arg1[%get3A_137, %get3A_138, %get3A_139, %get3A_140] : memref<2x10x1000x64xf32, #tpu.memory_space<vmem>>, vector<1x1x1000x64xf32>
    %get3A_142 = vector.shape_cast %get3A_141 : vector<1x1x1000x64xf32> to vector<1000x64xf32>
    %dot_general3A_143 = arith.constant dense<0.000000e+00> : vector<1000x32xf32>
    %dot_general3A_144 = tpu.matmul %get3A_142, %get3A_1, %dot_general3A_143 {dimension_numbers = #tpu.dot_dimension_numbers<[1], [0], [0], [1], [0, 0, 1, 1], [], []>, transpose_lhs_hint = false} : vector<1000x64xf32>, vector<64x32xf32>, vector<1000x32xf32> -> vector<1000x32xf32>
    %get3A_145 = arith.constant 0 : index
    %get3A_146 = arith.constant 9 : index
    %get3A_147 = arith.constant 0 : index
    %get3A_148 = arith.constant 0 : index
    %get3A_149 = vector.load %arg1[%get3A_145, %get3A_146, %get3A_147, %get3A_148] : memref<2x10x1000x64xf32, #tpu.memory_space<vmem>>, vector<1x1x1000x64xf32>
    %get3A_150 = vector.shape_cast %get3A_149 : vector<1x1x1000x64xf32> to vector<1000x64xf32>
    %dot_general3A_151 = arith.constant dense<0.000000e+00> : vector<1000x32xf32>
    %dot_general3A_152 = tpu.matmul %get3A_150, %get3A_1, %dot_general3A_151 {dimension_numbers = #tpu.dot_dimension_numbers<[1], [0], [0], [1], [0, 0, 1, 1], [], []>, transpose_lhs_hint = false} : vector<1000x64xf32>, vector<64x32xf32>, vector<1000x32xf32> -> vector<1000x32xf32>
    %get3A_153 = arith.constant 1 : index
    %get3A_154 = arith.constant 9 : index
    %get3A_155 = arith.constant 0 : index
    %get3A_156 = arith.constant 0 : index
    %get3A_157 = vector.load %arg1[%get3A_153, %get3A_154, %get3A_155, %get3A_156] : memref<2x10x1000x64xf32, #tpu.memory_space<vmem>>, vector<1x1x1000x64xf32>
    %get3A_158 = vector.shape_cast %get3A_157 : vector<1x1x1000x64xf32> to vector<1000x64xf32>
    %dot_general3A_159 = arith.constant dense<0.000000e+00> : vector<1000x32xf32>
    %dot_general3A_160 = tpu.matmul %get3A_158, %get3A_1, %dot_general3A_159 {dimension_numbers = #tpu.dot_dimension_numbers<[1], [0], [0], [1], [0, 0, 1, 1], [], []>, transpose_lhs_hint = false} : vector<1000x64xf32>, vector<64x32xf32>, vector<1000x32xf32> -> vector<1000x32xf32>
    %concatenate3A = tpu.concatenate %dot_general3A_8, %dot_general3A_16, %dot_general3A_24, %dot_general3A_32, %dot_general3A_40, %dot_general3A_48, %dot_general3A_56, %dot_general3A_64, %dot_general3A_72, %dot_general3A_80, %dot_general3A_88, %dot_general3A_96, %dot_general3A_104, %dot_general3A_112, %dot_general3A_120, %dot_general3A_128, %dot_general3A_136, %dot_general3A_144, %dot_general3A_152, %dot_general3A_160 in 1 : vector<1000x32xf32>, vector<1000x32xf32>, vector<1000x32xf32>, vector<1000x32xf32>, vector<1000x32xf32>, vector<1000x32xf32>, vector<1000x32xf32>, vector<1000x32xf32>, vector<1000x32xf32>, vector<1000x32xf32>, vector<1000x32xf32>, vector<1000x32xf32>, vector<1000x32xf32>, vector<1000x32xf32>, vector<1000x32xf32>, vector<1000x32xf32>, vector<1000x32xf32>, vector<1000x32xf32>, vector<1000x32xf32>, vector<1000x32xf32> -> vector<1000x640xf32>
    %get3A_161 = arith.constant 0 : index
    %get3A_162 = arith.constant 0 : index
    %get3A_163 = vector.load %arg6[%get3A_161, %get3A_162] : memref<1024x1000xbf16, #tpu.memory_space<vmem>>, vector<1024x1000xbf16>
    %convert_element_type3A = arith.truncf %concatenate3A : vector<1000x640xf32> to vector<1000x640xbf16>
    %dot_general3A_164 = arith.constant dense<0.000000e+00> : vector<1024x640xf32>
    %dot_general3A_165 = tpu.matmul %get3A_163, %convert_element_type3A, %dot_general3A_164 {dimension_numbers = #tpu.dot_dimension_numbers<[1], [0], [0], [1], [0, 0, 1, 1], [], []>, transpose_lhs_hint = false} : vector<1024x1000xbf16>, vector<1000x640xbf16>, vector<1024x640xf32> -> vector<1024x640xf32>
    %get3A_166 = arith.constant 0 : index
    %get3A_167 = vector.load %arg3[%get3A_166] : memref<32xf32, #tpu.memory_space<vmem>>, vector<32xf32>
    %concatenate3A_168 = tpu.concatenate %get3A_167, %get3A_167, %get3A_167, %get3A_167 in 0 : vector<32xf32>, vector<32xf32>, vector<32xf32>, vector<32xf32> -> vector<128xf32>
    %broadcast_in_dim3A = vector.shape_cast %concatenate3A_168 : vector<128xf32> to vector<1x128xf32>
    %slice3A = vector.extract_strided_slice %dot_general3A_165 {offsets = [0, 0], sizes = [250, 32], strides = [1, 1]} : vector<1024x640xf32> to vector<250x32xf32>
    %slice3A_169 = vector.extract_strided_slice %dot_general3A_165 {offsets = [256, 0], sizes = [250, 32], strides = [1, 1]} : vector<1024x640xf32> to vector<250x32xf32>
    %slice3A_170 = vector.extract_strided_slice %dot_general3A_165 {offsets = [512, 0], sizes = [250, 32], strides = [1, 1]} : vector<1024x640xf32> to vector<250x32xf32>
    %slice3A_171 = vector.extract_strided_slice %dot_general3A_165 {offsets = [768, 0], sizes = [250, 32], strides = [1, 1]} : vector<1024x640xf32> to vector<250x32xf32>
    %concatenate3A_172 = tpu.concatenate %slice3A, %slice3A_169, %slice3A_170, %slice3A_171 in 1 : vector<250x32xf32>, vector<250x32xf32>, vector<250x32xf32>, vector<250x32xf32> -> vector<250x128xf32>
    %add3A = vector.broadcast %broadcast_in_dim3A : vector<1x128xf32> to vector<250x128xf32>
    %add3A_173 = arith.addf %concatenate3A_172, %add3A : vector<250x128xf32>
    %slice3A_174 = vector.extract_strided_slice %dot_general3A_165 {offsets = [0, 32], sizes = [250, 32], strides = [1, 1]} : vector<1024x640xf32> to vector<250x32xf32>
    %slice3A_175 = vector.extract_strided_slice %dot_general3A_165 {offsets = [256, 32], sizes = [250, 32], strides = [1, 1]} : vector<1024x640xf32> to vector<250x32xf32>
    %slice3A_176 = vector.extract_strided_slice %dot_general3A_165 {offsets = [512, 32], sizes = [250, 32], strides = [1, 1]} : vector<1024x640xf32> to vector<250x32xf32>
    %slice3A_177 = vector.extract_strided_slice %dot_general3A_165 {offsets = [768, 32], sizes = [250, 32], strides = [1, 1]} : vector<1024x640xf32> to vector<250x32xf32>
    %concatenate3A_178 = tpu.concatenate %slice3A_174, %slice3A_175, %slice3A_176, %slice3A_177 in 1 : vector<250x32xf32>, vector<250x32xf32>, vector<250x32xf32>, vector<250x32xf32> -> vector<250x128xf32>
    %add3A_179 = vector.broadcast %broadcast_in_dim3A : vector<1x128xf32> to vector<250x128xf32>
    %add3A_180 = arith.addf %concatenate3A_178, %add3A_179 : vector<250x128xf32>
    %reduce_sum3A = vector.shape_cast %add3A_173 : vector<250x128xf32> to vector<1x250x128xf32>
    %reduce_sum3A_181 = arith.constant dense<0.000000e+00> : vector<1xf32>
    %reduce_sum3A_182 = vector.multi_reduction <add>, %reduce_sum3A, %reduce_sum3A_181 [1, 2] : vector<1x250x128xf32> to vector<1xf32>
    %reduce_sum3A_183 = vector.shape_cast %reduce_sum3A_182 : vector<1xf32> to vector<1x1x1xf32>
    %reduce_sum3A_184 = vector.extract %reduce_sum3A_183[0, 0, 0] : f32 from vector<1x1x1xf32>
    %reduce_sum3A_185 = vector.shape_cast %add3A_180 : vector<250x128xf32> to vector<1x250x128xf32>
    %reduce_sum3A_186 = arith.constant dense<0.000000e+00> : vector<1xf32>
    %reduce_sum3A_187 = vector.multi_reduction <add>, %reduce_sum3A_185, %reduce_sum3A_186 [1, 2] : vector<1x250x128xf32> to vector<1xf32>
    %reduce_sum3A_188 = vector.shape_cast %reduce_sum3A_187 : vector<1xf32> to vector<1x1x1xf32>
    %reduce_sum3A_189 = vector.extract %reduce_sum3A_188[0, 0, 0] : f32 from vector<1x1x1xf32>
    %add3A_190 = arith.addf %reduce_sum3A_184, %reduce_sum3A_189 : f32
    %div3A = arith.constant 6.400000e+04 : f32
    %div3A_191 = arith.divf %add3A_190, %div3A : f32
    %sub3A = vector.broadcast %div3A_191 : f32 to vector<250x128xf32>
    %sub3A_192 = arith.subf %add3A_173, %sub3A : vector<250x128xf32>
    %sub3A_193 = vector.broadcast %div3A_191 : f32 to vector<250x128xf32>
    %sub3A_194 = arith.subf %add3A_180, %sub3A_193 : vector<250x128xf32>
    %mul3A = arith.mulf %sub3A_192, %sub3A_192 : vector<250x128xf32>
    %reduce_sum3A_195 = vector.shape_cast %mul3A : vector<250x128xf32> to vector<1x250x128xf32>
    %reduce_sum3A_196 = arith.constant dense<0.000000e+00> : vector<1xf32>
    %reduce_sum3A_197 = vector.multi_reduction <add>, %reduce_sum3A_195, %reduce_sum3A_196 [1, 2] : vector<1x250x128xf32> to vector<1xf32>
    %reduce_sum3A_198 = vector.shape_cast %reduce_sum3A_197 : vector<1xf32> to vector<1x1x1xf32>
    %reduce_sum3A_199 = vector.extract %reduce_sum3A_198[0, 0, 0] : f32 from vector<1x1x1xf32>
    %mul3A_200 = arith.mulf %sub3A_194, %sub3A_194 : vector<250x128xf32>
    %reduce_sum3A_201 = vector.shape_cast %mul3A_200 : vector<250x128xf32> to vector<1x250x128xf32>
    %reduce_sum3A_202 = arith.constant dense<0.000000e+00> : vector<1xf32>
    %reduce_sum3A_203 = vector.multi_reduction <add>, %reduce_sum3A_201, %reduce_sum3A_202 [1, 2] : vector<1x250x128xf32> to vector<1xf32>
    %reduce_sum3A_204 = vector.shape_cast %reduce_sum3A_203 : vector<1xf32> to vector<1x1x1xf32>
    %reduce_sum3A_205 = vector.extract %reduce_sum3A_204[0, 0, 0] : f32 from vector<1x1x1xf32>
    %add3A_206 = arith.addf %reduce_sum3A_199, %reduce_sum3A_205 : f32
    %div3A_207 = arith.constant 6.400000e+04 : f32
    %div3A_208 = arith.divf %add3A_206, %div3A_207 : f32
    %mul3A_209 = arith.constant 10 : i32
    %mul3A_210 = arith.muli %arg0, %mul3A_209 : i32
    %add3A_211 = arith.constant 0 : i32
    %add3A_212 = arith.addi %mul3A_210, %add3A_211 : i32
    %add3A_213 = arith.constant 9.99999974E-6 : f32
    %add3A_214 = arith.addf %div3A_208, %add3A_213 : f32
    %rsqrt3A = math.rsqrt %add3A_214 : f32
    %get3A_215 = arith.index_cast %add3A_212 : i32 to index
    %get3A_216 = memref.load %arg4[%get3A_215] : memref<100xf32, #tpu.memory_space<smem>>
    %mul3A_217 = arith.mulf %rsqrt3A, %get3A_216 : f32
    %get3A_218 = arith.index_cast %add3A_212 : i32 to index
    %get3A_219 = memref.load %arg5[%get3A_218] : memref<100xf32, #tpu.memory_space<smem>>
    %mul3A_220 = vector.broadcast %mul3A_217 : f32 to vector<250x128xf32>
    %mul3A_221 = arith.mulf %sub3A_192, %mul3A_220 : vector<250x128xf32>
    %add3A_222 = vector.broadcast %get3A_219 : f32 to vector<250x128xf32>
    %add3A_223 = arith.addf %mul3A_221, %add3A_222 : vector<250x128xf32>
    %max3A = arith.constant 0.000000e+00 : f32
    %max3A_224 = vector.broadcast %max3A : f32 to vector<250x128xf32>
    %max3A_225 = arith.maximumf %add3A_223, %max3A_224 : vector<250x128xf32>
    %swap3A = arith.constant 0 : index
    %swap3A_226 = arith.constant 0 : index
    %swap3A_227 = arith.constant 0 : index
    %swap3A_228 = arith.constant 0 : index
    %swap3A_229 = vector.load %arg7[%swap3A, %swap3A_226, %swap3A_227, %swap3A_228] : memref<2x10x250x128xf32, #tpu.memory_space<vmem>>, vector<1x1x250x128xf32>
    %swap3A_230 = vector.shape_cast %swap3A_229 : vector<1x1x250x128xf32> to vector<250x128xf32>
    %swap3A_231 = vector.shape_cast %max3A_225 : vector<250x128xf32> to vector<1x1x250x128xf32>
    tpu.vector_store %arg7[%swap3A, %swap3A_226, %swap3A_227, %swap3A_228], %swap3A_231 {strides = array<i32>} : memref<2x10x250x128xf32, #tpu.memory_space<vmem>>, vector<1x1x250x128xf32>,
    %mul3A_232 = vector.broadcast %mul3A_217 : f32 to vector<250x128xf32>
    %mul3A_233 = arith.mulf %sub3A_194, %mul3A_232 : vector<250x128xf32>
    %add3A_234 = vector.broadcast %get3A_219 : f32 to vector<250x128xf32>
    %add3A_235 = arith.addf %mul3A_233, %add3A_234 : vector<250x128xf32>
    %max3A_236 = arith.constant 0.000000e+00 : f32
    %max3A_237 = vector.broadcast %max3A_236 : f32 to vector<250x128xf32>
    %max3A_238 = arith.maximumf %add3A_235, %max3A_237 : vector<250x128xf32>
    %swap3A_239 = arith.constant 1 : index
    %swap3A_240 = arith.constant 0 : index
    %swap3A_241 = arith.constant 0 : index
    %swap3A_242 = arith.constant 0 : index
    %swap3A_243 = vector.load %arg7[%swap3A_239, %swap3A_240, %swap3A_241, %swap3A_242] : memref<2x10x250x128xf32, #tpu.memory_space<vmem>>, vector<1x1x250x128xf32>
    %swap3A_244 = vector.shape_cast %swap3A_243 : vector<1x1x250x128xf32> to vector<250x128xf32>
    %swap3A_245 = vector.shape_cast %max3A_238 : vector<250x128xf32> to vector<1x1x250x128xf32>
    tpu.vector_store %arg7[%swap3A_239, %swap3A_240, %swap3A_241, %swap3A_242], %swap3A_245 {strides = array<i32>} : memref<2x10x250x128xf32, #tpu.memory_space<vmem>>, vector<1x1x250x128xf32>,
    %slice3A_246 = vector.extract_strided_slice %dot_general3A_165 {offsets = [0, 64], sizes = [250, 32], strides = [1, 1]} : vector<1024x640xf32> to vector<250x32xf32>
    %slice3A_247 = vector.extract_strided_slice %dot_general3A_165 {offsets = [256, 64], sizes = [250, 32], strides = [1, 1]} : vector<1024x640xf32> to vector<250x32xf32>
    %slice3A_248 = vector.extract_strided_slice %dot_general3A_165 {offsets = [512, 64], sizes = [250, 32], strides = [1, 1]} : vector<1024x640xf32> to vector<250x32xf32>
    %slice3A_249 = vector.extract_strided_slice %dot_general3A_165 {offsets = [768, 64], sizes = [250, 32], strides = [1, 1]} : vector<1024x640xf32> to vector<250x32xf32>
    %concatenate3A_250 = tpu.concatenate %slice3A_246, %slice3A_247, %slice3A_248, %slice3A_249 in 1 : vector<250x32xf32>, vector<250x32xf32>, vector<250x32xf32>, vector<250x32xf32> -> vector<250x128xf32>
    %add3A_251 = vector.broadcast %broadcast_in_dim3A : vector<1x128xf32> to vector<250x128xf32>
    %add3A_252 = arith.addf %concatenate3A_250, %add3A_251 : vector<250x128xf32>
    %slice3A_253 = vector.extract_strided_slice %dot_general3A_165 {offsets = [0, 96], sizes = [250, 32], strides = [1, 1]} : vector<1024x640xf32> to vector<250x32xf32>
    %slice3A_254 = vector.extract_strided_slice %dot_general3A_165 {offsets = [256, 96], sizes = [250, 32], strides = [1, 1]} : vector<1024x640xf32> to vector<250x32xf32>
    %slice3A_255 = vector.extract_strided_slice %dot_general3A_165 {offsets = [512, 96], sizes = [250, 32], strides = [1, 1]} : vector<1024x640xf32> to vector<250x32xf32>
    %slice3A_256 = vector.extract_strided_slice %dot_general3A_165 {offsets = [768, 96], sizes = [250, 32], strides = [1, 1]} : vector<1024x640xf32> to vector<250x32xf32>
    %concatenate3A_257 = tpu.concatenate %slice3A_253, %slice3A_254, %slice3A_255, %slice3A_256 in 1 : vector<250x32xf32>, vector<250x32xf32>, vector<250x32xf32>, vector<250x32xf32> -> vector<250x128xf32>
    %add3A_258 = vector.broadcast %broadcast_in_dim3A : vector<1x128xf32> to vector<250x128xf32>
    %add3A_259 = arith.addf %concatenate3A_257, %add3A_258 : vector<250x128xf32>
    %reduce_sum3A_260 = vector.shape_cast %add3A_252 : vector<250x128xf32> to vector<1x250x128xf32>
    %reduce_sum3A_261 = arith.constant dense<0.000000e+00> : vector<1xf32>
    %reduce_sum3A_262 = vector.multi_reduction <add>, %reduce_sum3A_260, %reduce_sum3A_261 [1, 2] : vector<1x250x128xf32> to vector<1xf32>
    %reduce_sum3A_263 = vector.shape_cast %reduce_sum3A_262 : vector<1xf32> to vector<1x1x1xf32>
    %reduce_sum3A_264 = vector.extract %reduce_sum3A_263[0, 0, 0] : f32 from vector<1x1x1xf32>
    %reduce_sum3A_265 = vector.shape_cast %add3A_259 : vector<250x128xf32> to vector<1x250x128xf32>
    %reduce_sum3A_266 = arith.constant dense<0.000000e+00> : vector<1xf32>
    %reduce_sum3A_267 = vector.multi_reduction <add>, %reduce_sum3A_265, %reduce_sum3A_266 [1, 2] : vector<1x250x128xf32> to vector<1xf32>
    %reduce_sum3A_268 = vector.shape_cast %reduce_sum3A_267 : vector<1xf32> to vector<1x1x1xf32>
    %reduce_sum3A_269 = vector.extract %reduce_sum3A_268[0, 0, 0] : f32 from vector<1x1x1xf32>
    %add3A_270 = arith.addf %reduce_sum3A_264, %reduce_sum3A_269 : f32
    %div3A_271 = arith.constant 6.400000e+04 : f32
    %div3A_272 = arith.divf %add3A_270, %div3A_271 : f32
    %sub3A_273 = vector.broadcast %div3A_272 : f32 to vector<250x128xf32>
    %sub3A_274 = arith.subf %add3A_252, %sub3A_273 : vector<250x128xf32>
    %sub3A_275 = vector.broadcast %div3A_272 : f32 to vector<250x128xf32>
    %sub3A_276 = arith.subf %add3A_259, %sub3A_275 : vector<250x128xf32>
    %mul3A_277 = arith.mulf %sub3A_274, %sub3A_274 : vector<250x128xf32>
    %reduce_sum3A_278 = vector.shape_cast %mul3A_277 : vector<250x128xf32> to vector<1x250x128xf32>
    %reduce_sum3A_279 = arith.constant dense<0.000000e+00> : vector<1xf32>
    %reduce_sum3A_280 = vector.multi_reduction <add>, %reduce_sum3A_278, %reduce_sum3A_279 [1, 2] : vector<1x250x128xf32> to vector<1xf32>
    %reduce_sum3A_281 = vector.shape_cast %reduce_sum3A_280 : vector<1xf32> to vector<1x1x1xf32>
    %reduce_sum3A_282 = vector.extract %reduce_sum3A_281[0, 0, 0] : f32 from vector<1x1x1xf32>
    %mul3A_283 = arith.mulf %sub3A_276, %sub3A_276 : vector<250x128xf32>
    %reduce_sum3A_284 = vector.shape_cast %mul3A_283 : vector<250x128xf32> to vector<1x250x128xf32>
    %reduce_sum3A_285 = arith.constant dense<0.000000e+00> : vector<1xf32>
    %reduce_sum3A_286 = vector.multi_reduction <add>, %reduce_sum3A_284, %reduce_sum3A_285 [1, 2] : vector<1x250x128xf32> to vector<1xf32>
    %reduce_sum3A_287 = vector.shape_cast %reduce_sum3A_286 : vector<1xf32> to vector<1x1x1xf32>
    %reduce_sum3A_288 = vector.extract %reduce_sum3A_287[0, 0, 0] : f32 from vector<1x1x1xf32>
    %add3A_289 = arith.addf %reduce_sum3A_282, %reduce_sum3A_288 : f32
    %div3A_290 = arith.constant 6.400000e+04 : f32
    %div3A_291 = arith.divf %add3A_289, %div3A_290 : f32
    %mul3A_292 = arith.constant 10 : i32
    %mul3A_293 = arith.muli %arg0, %mul3A_292 : i32
    %add3A_294 = arith.constant 1 : i32
    %add3A_295 = arith.addi %mul3A_293, %add3A_294 : i32
    %add3A_296 = arith.constant 9.99999974E-6 : f32
    %add3A_297 = arith.addf %div3A_291, %add3A_296 : f32
    %rsqrt3A_298 = math.rsqrt %add3A_297 : f32
    %get3A_299 = arith.index_cast %add3A_295 : i32 to index
    %get3A_300 = memref.load %arg4[%get3A_299] : memref<100xf32, #tpu.memory_space<smem>>
    %mul3A_301 = arith.mulf %rsqrt3A_298, %get3A_300 : f32
    %get3A_302 = arith.index_cast %add3A_295 : i32 to index
    %get3A_303 = memref.load %arg5[%get3A_302] : memref<100xf32, #tpu.memory_space<smem>>
    %mul3A_304 = vector.broadcast %mul3A_301 : f32 to vector<250x128xf32>
    %mul3A_305 = arith.mulf %sub3A_274, %mul3A_304 : vector<250x128xf32>
    %add3A_306 = vector.broadcast %get3A_303 : f32 to vector<250x128xf32>
    %add3A_307 = arith.addf %mul3A_305, %add3A_306 : vector<250x128xf32>
    %max3A_308 = arith.constant 0.000000e+00 : f32
    %max3A_309 = vector.broadcast %max3A_308 : f32 to vector<250x128xf32>
    %max3A_310 = arith.maximumf %add3A_307, %max3A_309 : vector<250x128xf32>
    %swap3A_311 = arith.constant 0 : index
    %swap3A_312 = arith.constant 1 : index
    %swap3A_313 = arith.constant 0 : index
    %swap3A_314 = arith.constant 0 : index
    %swap3A_315 = vector.load %arg7[%swap3A_311, %swap3A_312, %swap3A_313, %swap3A_314] : memref<2x10x250x128xf32, #tpu.memory_space<vmem>>, vector<1x1x250x128xf32>
    %swap3A_316 = vector.shape_cast %swap3A_315 : vector<1x1x250x128xf32> to vector<250x128xf32>
    %swap3A_317 = vector.shape_cast %max3A_310 : vector<250x128xf32> to vector<1x1x250x128xf32>
    tpu.vector_store %arg7[%swap3A_311, %swap3A_312, %swap3A_313, %swap3A_314], %swap3A_317 {strides = array<i32>} : memref<2x10x250x128xf32, #tpu.memory_space<vmem>>, vector<1x1x250x128xf32>,
    %mul3A_318 = vector.broadcast %mul3A_301 : f32 to vector<250x128xf32>
    %mul3A_319 = arith.mulf %sub3A_276, %mul3A_318 : vector<250x128xf32>
    %add3A_320 = vector.broadcast %get3A_303 : f32 to vector<250x128xf32>
    %add3A_321 = arith.addf %mul3A_319, %add3A_320 : vector<250x128xf32>
    %max3A_322 = arith.constant 0.000000e+00 : f32
    %max3A_323 = vector.broadcast %max3A_322 : f32 to vector<250x128xf32>
    %max3A_324 = arith.maximumf %add3A_321, %max3A_323 : vector<250x128xf32>
    %swap3A_325 = arith.constant 1 : index
    %swap3A_326 = arith.constant 1 : index
    %swap3A_327 = arith.constant 0 : index
    %swap3A_328 = arith.constant 0 : index
    %swap3A_329 = vector.load %arg7[%swap3A_325, %swap3A_326, %swap3A_327, %swap3A_328] : memref<2x10x250x128xf32, #tpu.memory_space<vmem>>, vector<1x1x250x128xf32>
    %swap3A_330 = vector.shape_cast %swap3A_329 : vector<1x1x250x128xf32> to vector<250x128xf32>
    %swap3A_331 = vector.shape_cast %max3A_324 : vector<250x128xf32> to vector<1x1x250x128xf32>
    tpu.vector_store %arg7[%swap3A_325, %swap3A_326, %swap3A_327, %swap3A_328], %swap3A_331 {strides = array<i32>} : memref<2x10x250x128xf32, #tpu.memory_space<vmem>>, vector<1x1x250x128xf32>,
    %slice3A_332 = vector.extract_strided_slice %dot_general3A_165 {offsets = [0, 128], sizes = [250, 32], strides = [1, 1]} : vector<1024x640xf32> to vector<250x32xf32>
    %slice3A_333 = vector.extract_strided_slice %dot_general3A_165 {offsets = [256, 128], sizes = [250, 32], strides = [1, 1]} : vector<1024x640xf32> to vector<250x32xf32>
    %slice3A_334 = vector.extract_strided_slice %dot_general3A_165 {offsets = [512, 128], sizes = [250, 32], strides = [1, 1]} : vector<1024x640xf32> to vector<250x32xf32>
    %slice3A_335 = vector.extract_strided_slice %dot_general3A_165 {offsets = [768, 128], sizes = [250, 32], strides = [1, 1]} : vector<1024x640xf32> to vector<250x32xf32>
    %concatenate3A_336 = tpu.concatenate %slice3A_332, %slice3A_333, %slice3A_334, %slice3A_335 in 1 : vector<250x32xf32>, vector<250x32xf32>, vector<250x32xf32>, vector<250x32xf32> -> vector<250x128xf32>
    %add3A_337 = vector.broadcast %broadcast_in_dim3A : vector<1x128xf32> to vector<250x128xf32>
    %add3A_338 = arith.addf %concatenate3A_336, %add3A_337 : vector<250x128xf32>
    %slice3A_339 = vector.extract_strided_slice %dot_general3A_165 {offsets = [0, 160], sizes = [250, 32], strides = [1, 1]} : vector<1024x640xf32> to vector<250x32xf32>
    %slice3A_340 = vector.extract_strided_slice %dot_general3A_165 {offsets = [256, 160], sizes = [250, 32], strides = [1, 1]} : vector<1024x640xf32> to vector<250x32xf32>
    %slice3A_341 = vector.extract_strided_slice %dot_general3A_165 {offsets = [512, 160], sizes = [250, 32], strides = [1, 1]} : vector<1024x640xf32> to vector<250x32xf32>
    %slice3A_342 = vector.extract_strided_slice %dot_general3A_165 {offsets = [768, 160], sizes = [250, 32], strides = [1, 1]} : vector<1024x640xf32> to vector<250x32xf32>
    %concatenate3A_343 = tpu.concatenate %slice3A_339, %slice3A_340, %slice3A_341, %slice3A_342 in 1 : vector<250x32xf32>, vector<250x32xf32>, vector<250x32xf32>, vector<250x32xf32> -> vector<250x128xf32>
    %add3A_344 = vector.broadcast %broadcast_in_dim3A : vector<1x128xf32> to vector<250x128xf32>
    %add3A_345 = arith.addf %concatenate3A_343, %add3A_344 : vector<250x128xf32>
    %reduce_sum3A_346 = vector.shape_cast %add3A_338 : vector<250x128xf32> to vector<1x250x128xf32>
    %reduce_sum3A_347 = arith.constant dense<0.000000e+00> : vector<1xf32>
    %reduce_sum3A_348 = vector.multi_reduction <add>, %reduce_sum3A_346, %reduce_sum3A_347 [1, 2] : vector<1x250x128xf32> to vector<1xf32>
    %reduce_sum3A_349 = vector.shape_cast %reduce_sum3A_348 : vector<1xf32> to vector<1x1x1xf32>
    %reduce_sum3A_350 = vector.extract %reduce_sum3A_349[0, 0, 0] : f32 from vector<1x1x1xf32>
    %reduce_sum3A_351 = vector.shape_cast %add3A_345 : vector<250x128xf32> to vector<1x250x128xf32>
    %reduce_sum3A_352 = arith.constant dense<0.000000e+00> : vector<1xf32>
    %reduce_sum3A_353 = vector.multi_reduction <add>, %reduce_sum3A_351, %reduce_sum3A_352 [1, 2] : vector<1x250x128xf32> to vector<1xf32>
    %reduce_sum3A_354 = vector.shape_cast %reduce_sum3A_353 : vector<1xf32> to vector<1x1x1xf32>
    %reduce_sum3A_355 = vector.extract %reduce_sum3A_354[0, 0, 0] : f32 from vector<1x1x1xf32>
    %add3A_356 = arith.addf %reduce_sum3A_350, %reduce_sum3A_355 : f32
    %div3A_357 = arith.constant 6.400000e+04 : f32
    %div3A_358 = arith.divf %add3A_356, %div3A_357 : f32
    %sub3A_359 = vector.broadcast %div3A_358 : f32 to vector<250x128xf32>
    %sub3A_360 = arith.subf %add3A_338, %sub3A_359 : vector<250x128xf32>
    %sub3A_361 = vector.broadcast %div3A_358 : f32 to vector<250x128xf32>
    %sub3A_362 = arith.subf %add3A_345, %sub3A_361 : vector<250x128xf32>
    %mul3A_363 = arith.mulf %sub3A_360, %sub3A_360 : vector<250x128xf32>
    %reduce_sum3A_364 = vector.shape_cast %mul3A_363 : vector<250x128xf32> to vector<1x250x128xf32>
    %reduce_sum3A_365 = arith.constant dense<0.000000e+00> : vector<1xf32>
    %reduce_sum3A_366 = vector.multi_reduction <add>, %reduce_sum3A_364, %reduce_sum3A_365 [1, 2] : vector<1x250x128xf32> to vector<1xf32>
    %reduce_sum3A_367 = vector.shape_cast %reduce_sum3A_366 : vector<1xf32> to vector<1x1x1xf32>
    %reduce_sum3A_368 = vector.extract %reduce_sum3A_367[0, 0, 0] : f32 from vector<1x1x1xf32>
    %mul3A_369 = arith.mulf %sub3A_362, %sub3A_362 : vector<250x128xf32>
    %reduce_sum3A_370 = vector.shape_cast %mul3A_369 : vector<250x128xf32> to vector<1x250x128xf32>
    %reduce_sum3A_371 = arith.constant dense<0.000000e+00> : vector<1xf32>
    %reduce_sum3A_372 = vector.multi_reduction <add>, %reduce_sum3A_370, %reduce_sum3A_371 [1, 2] : vector<1x250x128xf32> to vector<1xf32>
    %reduce_sum3A_373 = vector.shape_cast %reduce_sum3A_372 : vector<1xf32> to vector<1x1x1xf32>
    %reduce_sum3A_374 = vector.extract %reduce_sum3A_373[0, 0, 0] : f32 from vector<1x1x1xf32>
    %add3A_375 = arith.addf %reduce_sum3A_368, %reduce_sum3A_374 : f32
    %div3A_376 = arith.constant 6.400000e+04 : f32
    %div3A_377 = arith.divf %add3A_375, %div3A_376 : f32
    %mul3A_378 = arith.constant 10 : i32
    %mul3A_379 = arith.muli %arg0, %mul3A_378 : i32
    %add3A_380 = arith.constant 2 : i32
    %add3A_381 = arith.addi %mul3A_379, %add3A_380 : i32
    %add3A_382 = arith.constant 9.99999974E-6 : f32
    %add3A_383 = arith.addf %div3A_377, %add3A_382 : f32
    %rsqrt3A_384 = math.rsqrt %add3A_383 : f32
    %get3A_385 = arith.index_cast %add3A_381 : i32 to index
    %get3A_386 = memref.load %arg4[%get3A_385] : memref<100xf32, #tpu.memory_space<smem>>
    %mul3A_387 = arith.mulf %rsqrt3A_384, %get3A_386 : f32
    %get3A_388 = arith.index_cast %add3A_381 : i32 to index
    %get3A_389 = memref.load %arg5[%get3A_388] : memref<100xf32, #tpu.memory_space<smem>>
    %mul3A_390 = vector.broadcast %mul3A_387 : f32 to vector<250x128xf32>
    %mul3A_391 = arith.mulf %sub3A_360, %mul3A_390 : vector<250x128xf32>
    %add3A_392 = vector.broadcast %get3A_389 : f32 to vector<250x128xf32>
    %add3A_393 = arith.addf %mul3A_391, %add3A_392 : vector<250x128xf32>
    %max3A_394 = arith.constant 0.000000e+00 : f32
    %max3A_395 = vector.broadcast %max3A_394 : f32 to vector<250x128xf32>
    %max3A_396 = arith.maximumf %add3A_393, %max3A_395 : vector<250x128xf32>
    %swap3A_397 = arith.constant 0 : index
    %swap3A_398 = arith.constant 2 : index
    %swap3A_399 = arith.constant 0 : index
    %swap3A_400 = arith.constant 0 : index
    %swap3A_401 = vector.load %arg7[%swap3A_397, %swap3A_398, %swap3A_399, %swap3A_400] : memref<2x10x250x128xf32, #tpu.memory_space<vmem>>, vector<1x1x250x128xf32>
    %swap3A_402 = vector.shape_cast %swap3A_401 : vector<1x1x250x128xf32> to vector<250x128xf32>
    %swap3A_403 = vector.shape_cast %max3A_396 : vector<250x128xf32> to vector<1x1x250x128xf32>
    tpu.vector_store %arg7[%swap3A_397, %swap3A_398, %swap3A_399, %swap3A_400], %swap3A_403 {strides = array<i32>} : memref<2x10x250x128xf32, #tpu.memory_space<vmem>>, vector<1x1x250x128xf32>,
    %mul3A_404 = vector.broadcast %mul3A_387 : f32 to vector<250x128xf32>
    %mul3A_405 = arith.mulf %sub3A_362, %mul3A_404 : vector<250x128xf32>
    %add3A_406 = vector.broadcast %get3A_389 : f32 to vector<250x128xf32>
    %add3A_407 = arith.addf %mul3A_405, %add3A_406 : vector<250x128xf32>
    %max3A_408 = arith.constant 0.000000e+00 : f32
    %max3A_409 = vector.broadcast %max3A_408 : f32 to vector<250x128xf32>
    %max3A_410 = arith.maximumf %add3A_407, %max3A_409 : vector<250x128xf32>
    %swap3A_411 = arith.constant 1 : index
    %swap3A_412 = arith.constant 2 : index
    %swap3A_413 = arith.constant 0 : index
    %swap3A_414 = arith.constant 0 : index
    %swap3A_415 = vector.load %arg7[%swap3A_411, %swap3A_412, %swap3A_413, %swap3A_414] : memref<2x10x250x128xf32, #tpu.memory_space<vmem>>, vector<1x1x250x128xf32>
    %swap3A_416 = vector.shape_cast %swap3A_415 : vector<1x1x250x128xf32> to vector<250x128xf32>
    %swap3A_417 = vector.shape_cast %max3A_410 : vector<250x128xf32> to vector<1x1x250x128xf32>
    tpu.vector_store %arg7[%swap3A_411, %swap3A_412, %swap3A_413, %swap3A_414], %swap3A_417 {strides = array<i32>} : memref<2x10x250x128xf32, #tpu.memory_space<vmem>>, vector<1x1x250x128xf32>,
    %slice3A_418 = vector.extract_strided_slice %dot_general3A_165 {offsets = [0, 192], sizes = [250, 32], strides = [1, 1]} : vector<1024x640xf32> to vector<250x32xf32>
    %slice3A_419 = vector.extract_strided_slice %dot_general3A_165 {offsets = [256, 192], sizes = [250, 32], strides = [1, 1]} : vector<1024x640xf32> to vector<250x32xf32>
    %slice3A_420 = vector.extract_strided_slice %dot_general3A_165 {offsets = [512, 192], sizes = [250, 32], strides = [1, 1]} : vector<1024x640xf32> to vector<250x32xf32>
    %slice3A_421 = vector.extract_strided_slice %dot_general3A_165 {offsets = [768, 192], sizes = [250, 32], strides = [1, 1]} : vector<1024x640xf32> to vector<250x32xf32>
    %concatenate3A_422 = tpu.concatenate %slice3A_418, %slice3A_419, %slice3A_420, %slice3A_421 in 1 : vector<250x32xf32>, vector<250x32xf32>, vector<250x32xf32>, vector<250x32xf32> -> vector<250x128xf32>
    %add3A_423 = vector.broadcast %broadcast_in_dim3A : vector<1x128xf32> to vector<250x128xf32>
    %add3A_424 = arith.addf %concatenate3A_422, %add3A_423 : vector<250x128xf32>
    %slice3A_425 = vector.extract_strided_slice %dot_general3A_165 {offsets = [0, 224], sizes = [250, 32], strides = [1, 1]} : vector<1024x640xf32> to vector<250x32xf32>
    %slice3A_426 = vector.extract_strided_slice %dot_general3A_165 {offsets = [256, 224], sizes = [250, 32], strides = [1, 1]} : vector<1024x640xf32> to vector<250x32xf32>
    %slice3A_427 = vector.extract_strided_slice %dot_general3A_165 {offsets = [512, 224], sizes = [250, 32], strides = [1, 1]} : vector<1024x640xf32> to vector<250x32xf32>
    %slice3A_428 = vector.extract_strided_slice %dot_general3A_165 {offsets = [768, 224], sizes = [250, 32], strides = [1, 1]} : vector<1024x640xf32> to vector<250x32xf32>
    %concatenate3A_429 = tpu.concatenate %slice3A_425, %slice3A_426, %slice3A_427, %slice3A_428 in 1 : vector<250x32xf32>, vector<250x32xf32>, vector<250x32xf32>, vector<250x32xf32> -> vector<250x128xf32>
    %add3A_430 = vector.broadcast %broadcast_in_dim3A : vector<1x128xf32> to vector<250x128xf32>
    %add3A_431 = arith.addf %concatenate3A_429, %add3A_430 : vector<250x128xf32>
    %reduce_sum3A_432 = vector.shape_cast %add3A_424 : vector<250x128xf32> to vector<1x250x128xf32>
    %reduce_sum3A_433 = arith.constant dense<0.000000e+00> : vector<1xf32>
    %reduce_sum3A_434 = vector.multi_reduction <add>, %reduce_sum3A_432, %reduce_sum3A_433 [1, 2] : vector<1x250x128xf32> to vector<1xf32>
    %reduce_sum3A_435 = vector.shape_cast %reduce_sum3A_434 : vector<1xf32> to vector<1x1x1xf32>
    %reduce_sum3A_436 = vector.extract %reduce_sum3A_435[0, 0, 0] : f32 from vector<1x1x1xf32>
    %reduce_sum3A_437 = vector.shape_cast %add3A_431 : vector<250x128xf32> to vector<1x250x128xf32>
    %reduce_sum3A_438 = arith.constant dense<0.000000e+00> : vector<1xf32>
    %reduce_sum3A_439 = vector.multi_reduction <add>, %reduce_sum3A_437, %reduce_sum3A_438 [1, 2] : vector<1x250x128xf32> to vector<1xf32>
    %reduce_sum3A_440 = vector.shape_cast %reduce_sum3A_439 : vector<1xf32> to vector<1x1x1xf32>
    %reduce_sum3A_441 = vector.extract %reduce_sum3A_440[0, 0, 0] : f32 from vector<1x1x1xf32>
    %add3A_442 = arith.addf %reduce_sum3A_436, %reduce_sum3A_441 : f32
    %div3A_443 = arith.constant 6.400000e+04 : f32
    %div3A_444 = arith.divf %add3A_442, %div3A_443 : f32
    %sub3A_445 = vector.broadcast %div3A_444 : f32 to vector<250x128xf32>
    %sub3A_446 = arith.subf %add3A_424, %sub3A_445 : vector<250x128xf32>
    %sub3A_447 = vector.broadcast %div3A_444 : f32 to vector<250x128xf32>
    %sub3A_448 = arith.subf %add3A_431, %sub3A_447 : vector<250x128xf32>
    %mul3A_449 = arith.mulf %sub3A_446, %sub3A_446 : vector<250x128xf32>
    %reduce_sum3A_450 = vector.shape_cast %mul3A_449 : vector<250x128xf32> to vector<1x250x128xf32>
    %reduce_sum3A_451 = arith.constant dense<0.000000e+00> : vector<1xf32>
    %reduce_sum3A_452 = vector.multi_reduction <add>, %reduce_sum3A_450, %reduce_sum3A_451 [1, 2] : vector<1x250x128xf32> to vector<1xf32>
    %reduce_sum3A_453 = vector.shape_cast %reduce_sum3A_452 : vector<1xf32> to vector<1x1x1xf32>
    %reduce_sum3A_454 = vector.extract %reduce_sum3A_453[0, 0, 0] : f32 from vector<1x1x1xf32>
    %mul3A_455 = arith.mulf %sub3A_448, %sub3A_448 : vector<250x128xf32>
    %reduce_sum3A_456 = vector.shape_cast %mul3A_455 : vector<250x128xf32> to vector<1x250x128xf32>
    %reduce_sum3A_457 = arith.constant dense<0.000000e+00> : vector<1xf32>
    %reduce_sum3A_458 = vector.multi_reduction <add>, %reduce_sum3A_456, %reduce_sum3A_457 [1, 2] : vector<1x250x128xf32> to vector<1xf32>
    %reduce_sum3A_459 = vector.shape_cast %reduce_sum3A_458 : vector<1xf32> to vector<1x1x1xf32>
    %reduce_sum3A_460 = vector.extract %reduce_sum3A_459[0, 0, 0] : f32 from vector<1x1x1xf32>
    %add3A_461 = arith.addf %reduce_sum3A_454, %reduce_sum3A_460 : f32
    %div3A_462 = arith.constant 6.400000e+04 : f32
    %div3A_463 = arith.divf %add3A_461, %div3A_462 : f32
    %mul3A_464 = arith.constant 10 : i32
    %mul3A_465 = arith.muli %arg0, %mul3A_464 : i32
    %add3A_466 = arith.constant 3 : i32
    %add3A_467 = arith.addi %mul3A_465, %add3A_466 : i32
    %add3A_468 = arith.constant 9.99999974E-6 : f32
    %add3A_469 = arith.addf %div3A_463, %add3A_468 : f32
    %rsqrt3A_470 = math.rsqrt %add3A_469 : f32
    %get3A_471 = arith.index_cast %add3A_467 : i32 to index
    %get3A_472 = memref.load %arg4[%get3A_471] : memref<100xf32, #tpu.memory_space<smem>>
    %mul3A_473 = arith.mulf %rsqrt3A_470, %get3A_472 : f32
    %get3A_474 = arith.index_cast %add3A_467 : i32 to index
    %get3A_475 = memref.load %arg5[%get3A_474] : memref<100xf32, #tpu.memory_space<smem>>
    %mul3A_476 = vector.broadcast %mul3A_473 : f32 to vector<250x128xf32>
    %mul3A_477 = arith.mulf %sub3A_446, %mul3A_476 : vector<250x128xf32>
    %add3A_478 = vector.broadcast %get3A_475 : f32 to vector<250x128xf32>
    %add3A_479 = arith.addf %mul3A_477, %add3A_478 : vector<250x128xf32>
    %max3A_480 = arith.constant 0.000000e+00 : f32
    %max3A_481 = vector.broadcast %max3A_480 : f32 to vector<250x128xf32>
    %max3A_482 = arith.maximumf %add3A_479, %max3A_481 : vector<250x128xf32>
    %swap3A_483 = arith.constant 0 : index
    %swap3A_484 = arith.constant 3 : index
    %swap3A_485 = arith.constant 0 : index
    %swap3A_486 = arith.constant 0 : index
    %swap3A_487 = vector.load %arg7[%swap3A_483, %swap3A_484, %swap3A_485, %swap3A_486] : memref<2x10x250x128xf32, #tpu.memory_space<vmem>>, vector<1x1x250x128xf32>
    %swap3A_488 = vector.shape_cast %swap3A_487 : vector<1x1x250x128xf32> to vector<250x128xf32>
    %swap3A_489 = vector.shape_cast %max3A_482 : vector<250x128xf32> to vector<1x1x250x128xf32>
    tpu.vector_store %arg7[%swap3A_483, %swap3A_484, %swap3A_485, %swap3A_486], %swap3A_489 {strides = array<i32>} : memref<2x10x250x128xf32, #tpu.memory_space<vmem>>, vector<1x1x250x128xf32>,
    %mul3A_490 = vector.broadcast %mul3A_473 : f32 to vector<250x128xf32>
    %mul3A_491 = arith.mulf %sub3A_448, %mul3A_490 : vector<250x128xf32>
    %add3A_492 = vector.broadcast %get3A_475 : f32 to vector<250x128xf32>
    %add3A_493 = arith.addf %mul3A_491, %add3A_492 : vector<250x128xf32>
    %max3A_494 = arith.constant 0.000000e+00 : f32
    %max3A_495 = vector.broadcast %max3A_494 : f32 to vector<250x128xf32>
    %max3A_496 = arith.maximumf %add3A_493, %max3A_495 : vector<250x128xf32>
    %swap3A_497 = arith.constant 1 : index
    %swap3A_498 = arith.constant 3 : index
    %swap3A_499 = arith.constant 0 : index
    %swap3A_500 = arith.constant 0 : index
    %swap3A_501 = vector.load %arg7[%swap3A_497, %swap3A_498, %swap3A_499, %swap3A_500] : memref<2x10x250x128xf32, #tpu.memory_space<vmem>>, vector<1x1x250x128xf32>
    %swap3A_502 = vector.shape_cast %swap3A_501 : vector<1x1x250x128xf32> to vector<250x128xf32>
    %swap3A_503 = vector.shape_cast %max3A_496 : vector<250x128xf32> to vector<1x1x250x128xf32>
    tpu.vector_store %arg7[%swap3A_497, %swap3A_498, %swap3A_499, %swap3A_500], %swap3A_503 {strides = array<i32>} : memref<2x10x250x128xf32, #tpu.memory_space<vmem>>, vector<1x1x250x128xf32>,
    %slice3A_504 = vector.extract_strided_slice %dot_general3A_165 {offsets = [0, 256], sizes = [250, 32], strides = [1, 1]} : vector<1024x640xf32> to vector<250x32xf32>
    %slice3A_505 = vector.extract_strided_slice %dot_general3A_165 {offsets = [256, 256], sizes = [250, 32], strides = [1, 1]} : vector<1024x640xf32> to vector<250x32xf32>
    %slice3A_506 = vector.extract_strided_slice %dot_general3A_165 {offsets = [512, 256], sizes = [250, 32], strides = [1, 1]} : vector<1024x640xf32> to vector<250x32xf32>
    %slice3A_507 = vector.extract_strided_slice %dot_general3A_165 {offsets = [768, 256], sizes = [250, 32], strides = [1, 1]} : vector<1024x640xf32> to vector<250x32xf32>
    %concatenate3A_508 = tpu.concatenate %slice3A_504, %slice3A_505, %slice3A_506, %slice3A_507 in 1 : vector<250x32xf32>, vector<250x32xf32>, vector<250x32xf32>, vector<250x32xf32> -> vector<250x128xf32>
    %add3A_509 = vector.broadcast %broadcast_in_dim3A : vector<1x128xf32> to vector<250x128xf32>
    %add3A_510 = arith.addf %concatenate3A_508, %add3A_509 : vector<250x128xf32>
    %slice3A_511 = vector.extract_strided_slice %dot_general3A_165 {offsets = [0, 288], sizes = [250, 32], strides = [1, 1]} : vector<1024x640xf32> to vector<250x32xf32>
    %slice3A_512 = vector.extract_strided_slice %dot_general3A_165 {offsets = [256, 288], sizes = [250, 32], strides = [1, 1]} : vector<1024x640xf32> to vector<250x32xf32>
    %slice3A_513 = vector.extract_strided_slice %dot_general3A_165 {offsets = [512, 288], sizes = [250, 32], strides = [1, 1]} : vector<1024x640xf32> to vector<250x32xf32>
    %slice3A_514 = vector.extract_strided_slice %dot_general3A_165 {offsets = [768, 288], sizes = [250, 32], strides = [1, 1]} : vector<1024x640xf32> to vector<250x32xf32>
    %concatenate3A_515 = tpu.concatenate %slice3A_511, %slice3A_512, %slice3A_513, %slice3A_514 in 1 : vector<250x32xf32>, vector<250x32xf32>, vector<250x32xf32>, vector<250x32xf32> -> vector<250x128xf32>
    %add3A_516 = vector.broadcast %broadcast_in_dim3A : vector<1x128xf32> to vector<250x128xf32>
    %add3A_517 = arith.addf %concatenate3A_515, %add3A_516 : vector<250x128xf32>
    %reduce_sum3A_518 = vector.shape_cast %add3A_510 : vector<250x128xf32> to vector<1x250x128xf32>
    %reduce_sum3A_519 = arith.constant dense<0.000000e+00> : vector<1xf32>
    %reduce_sum3A_520 = vector.multi_reduction <add>, %reduce_sum3A_518, %reduce_sum3A_519 [1, 2] : vector<1x250x128xf32> to vector<1xf32>
    %reduce_sum3A_521 = vector.shape_cast %reduce_sum3A_520 : vector<1xf32> to vector<1x1x1xf32>
    %reduce_sum3A_522 = vector.extract %reduce_sum3A_521[0, 0, 0] : f32 from vector<1x1x1xf32>
    %reduce_sum3A_523 = vector.shape_cast %add3A_517 : vector<250x128xf32> to vector<1x250x128xf32>
    %reduce_sum3A_524 = arith.constant dense<0.000000e+00> : vector<1xf32>
    %reduce_sum3A_525 = vector.multi_reduction <add>, %reduce_sum3A_523, %reduce_sum3A_524 [1, 2] : vector<1x250x128xf32> to vector<1xf32>
    %reduce_sum3A_526 = vector.shape_cast %reduce_sum3A_525 : vector<1xf32> to vector<1x1x1xf32>
    %reduce_sum3A_527 = vector.extract %reduce_sum3A_526[0, 0, 0] : f32 from vector<1x1x1xf32>
    %add3A_528 = arith.addf %reduce_sum3A_522, %reduce_sum3A_527 : f32
    %div3A_529 = arith.constant 6.400000e+04 : f32
    %div3A_530 = arith.divf %add3A_528, %div3A_529 : f32
    %sub3A_531 = vector.broadcast %div3A_530 : f32 to vector<250x128xf32>
    %sub3A_532 = arith.subf %add3A_510, %sub3A_531 : vector<250x128xf32>
    %sub3A_533 = vector.broadcast %div3A_530 : f32 to vector<250x128xf32>
    %sub3A_534 = arith.subf %add3A_517, %sub3A_533 : vector<250x128xf32>
    %mul3A_535 = arith.mulf %sub3A_532, %sub3A_532 : vector<250x128xf32>
    %reduce_sum3A_536 = vector.shape_cast %mul3A_535 : vector<250x128xf32> to vector<1x250x128xf32>
    %reduce_sum3A_537 = arith.constant dense<0.000000e+00> : vector<1xf32>
    %reduce_sum3A_538 = vector.multi_reduction <add>, %reduce_sum3A_536, %reduce_sum3A_537 [1, 2] : vector<1x250x128xf32> to vector<1xf32>
    %reduce_sum3A_539 = vector.shape_cast %reduce_sum3A_538 : vector<1xf32> to vector<1x1x1xf32>
    %reduce_sum3A_540 = vector.extract %reduce_sum3A_539[0, 0, 0] : f32 from vector<1x1x1xf32>
    %mul3A_541 = arith.mulf %sub3A_534, %sub3A_534 : vector<250x128xf32>
    %reduce_sum3A_542 = vector.shape_cast %mul3A_541 : vector<250x128xf32> to vector<1x250x128xf32>
    %reduce_sum3A_543 = arith.constant dense<0.000000e+00> : vector<1xf32>
    %reduce_sum3A_544 = vector.multi_reduction <add>, %reduce_sum3A_542, %reduce_sum3A_543 [1, 2] : vector<1x250x128xf32> to vector<1xf32>
    %reduce_sum3A_545 = vector.shape_cast %reduce_sum3A_544 : vector<1xf32> to vector<1x1x1xf32>
    %reduce_sum3A_546 = vector.extract %reduce_sum3A_545[0, 0, 0] : f32 from vector<1x1x1xf32>
    %add3A_547 = arith.addf %reduce_sum3A_540, %reduce_sum3A_546 : f32
    %div3A_548 = arith.constant 6.400000e+04 : f32
    %div3A_549 = arith.divf %add3A_547, %div3A_548 : f32
    %mul3A_550 = arith.constant 10 : i32
    %mul3A_551 = arith.muli %arg0, %mul3A_550 : i32
    %add3A_552 = arith.constant 4 : i32
    %add3A_553 = arith.addi %mul3A_551, %add3A_552 : i32
    %add3A_554 = arith.constant 9.99999974E-6 : f32
    %add3A_555 = arith.addf %div3A_549, %add3A_554 : f32
    %rsqrt3A_556 = math.rsqrt %add3A_555 : f32
    %get3A_557 = arith.index_cast %add3A_553 : i32 to index
    %get3A_558 = memref.load %arg4[%get3A_557] : memref<100xf32, #tpu.memory_space<smem>>
    %mul3A_559 = arith.mulf %rsqrt3A_556, %get3A_558 : f32
    %get3A_560 = arith.index_cast %add3A_553 : i32 to index
    %get3A_561 = memref.load %arg5[%get3A_560] : memref<100xf32, #tpu.memory_space<smem>>
    %mul3A_562 = vector.broadcast %mul3A_559 : f32 to vector<250x128xf32>
    %mul3A_563 = arith.mulf %sub3A_532, %mul3A_562 : vector<250x128xf32>
    %add3A_564 = vector.broadcast %get3A_561 : f32 to vector<250x128xf32>
    %add3A_565 = arith.addf %mul3A_563, %add3A_564 : vector<250x128xf32>
    %max3A_566 = arith.constant 0.000000e+00 : f32
    %max3A_567 = vector.broadcast %max3A_566 : f32 to vector<250x128xf32>
    %max3A_568 = arith.maximumf %add3A_565, %max3A_567 : vector<250x128xf32>
    %swap3A_569 = arith.constant 0 : index
    %swap3A_570 = arith.constant 4 : index
    %swap3A_571 = arith.constant 0 : index
    %swap3A_572 = arith.constant 0 : index
    %swap3A_573 = vector.load %arg7[%swap3A_569, %swap3A_570, %swap3A_571, %swap3A_572] : memref<2x10x250x128xf32, #tpu.memory_space<vmem>>, vector<1x1x250x128xf32>
    %swap3A_574 = vector.shape_cast %swap3A_573 : vector<1x1x250x128xf32> to vector<250x128xf32>
    %swap3A_575 = vector.shape_cast %max3A_568 : vector<250x128xf32> to vector<1x1x250x128xf32>
    tpu.vector_store %arg7[%swap3A_569, %swap3A_570, %swap3A_571, %swap3A_572], %swap3A_575 {strides = array<i32>} : memref<2x10x250x128xf32, #tpu.memory_space<vmem>>, vector<1x1x250x128xf32>,
    %mul3A_576 = vector.broadcast %mul3A_559 : f32 to vector<250x128xf32>
    %mul3A_577 = arith.mulf %sub3A_534, %mul3A_576 : vector<250x128xf32>
    %add3A_578 = vector.broadcast %get3A_561 : f32 to vector<250x128xf32>
    %add3A_579 = arith.addf %mul3A_577, %add3A_578 : vector<250x128xf32>
    %max3A_580 = arith.constant 0.000000e+00 : f32
    %max3A_581 = vector.broadcast %max3A_580 : f32 to vector<250x128xf32>
    %max3A_582 = arith.maximumf %add3A_579, %max3A_581 : vector<250x128xf32>
    %swap3A_583 = arith.constant 1 : index
    %swap3A_584 = arith.constant 4 : index
    %swap3A_585 = arith.constant 0 : index
    %swap3A_586 = arith.constant 0 : index
    %swap3A_587 = vector.load %arg7[%swap3A_583, %swap3A_584, %swap3A_585, %swap3A_586] : memref<2x10x250x128xf32, #tpu.memory_space<vmem>>, vector<1x1x250x128xf32>
    %swap3A_588 = vector.shape_cast %swap3A_587 : vector<1x1x250x128xf32> to vector<250x128xf32>
    %swap3A_589 = vector.shape_cast %max3A_582 : vector<250x128xf32> to vector<1x1x250x128xf32>
    tpu.vector_store %arg7[%swap3A_583, %swap3A_584, %swap3A_585, %swap3A_586], %swap3A_589 {strides = array<i32>} : memref<2x10x250x128xf32, #tpu.memory_space<vmem>>, vector<1x1x250x128xf32>,
    %slice3A_590 = vector.extract_strided_slice %dot_general3A_165 {offsets = [0, 320], sizes = [250, 32], strides = [1, 1]} : vector<1024x640xf32> to vector<250x32xf32>
    %slice3A_591 = vector.extract_strided_slice %dot_general3A_165 {offsets = [256, 320], sizes = [250, 32], strides = [1, 1]} : vector<1024x640xf32> to vector<250x32xf32>
    %slice3A_592 = vector.extract_strided_slice %dot_general3A_165 {offsets = [512, 320], sizes = [250, 32], strides = [1, 1]} : vector<1024x640xf32> to vector<250x32xf32>
    %slice3A_593 = vector.extract_strided_slice %dot_general3A_165 {offsets = [768, 320], sizes = [250, 32], strides = [1, 1]} : vector<1024x640xf32> to vector<250x32xf32>
    %concatenate3A_594 = tpu.concatenate %slice3A_590, %slice3A_591, %slice3A_592, %slice3A_593 in 1 : vector<250x32xf32>, vector<250x32xf32>, vector<250x32xf32>, vector<250x32xf32> -> vector<250x128xf32>
    %add3A_595 = vector.broadcast %broadcast_in_dim3A : vector<1x128xf32> to vector<250x128xf32>
    %add3A_596 = arith.addf %concatenate3A_594, %add3A_595 : vector<250x128xf32>
    %slice3A_597 = vector.extract_strided_slice %dot_general3A_165 {offsets = [0, 352], sizes = [250, 32], strides = [1, 1]} : vector<1024x640xf32> to vector<250x32xf32>
    %slice3A_598 = vector.extract_strided_slice %dot_general3A_165 {offsets = [256, 352], sizes = [250, 32], strides = [1, 1]} : vector<1024x640xf32> to vector<250x32xf32>
    %slice3A_599 = vector.extract_strided_slice %dot_general3A_165 {offsets = [512, 352], sizes = [250, 32], strides = [1, 1]} : vector<1024x640xf32> to vector<250x32xf32>
    %slice3A_600 = vector.extract_strided_slice %dot_general3A_165 {offsets = [768, 352], sizes = [250, 32], strides = [1, 1]} : vector<1024x640xf32> to vector<250x32xf32>
    %concatenate3A_601 = tpu.concatenate %slice3A_597, %slice3A_598, %slice3A_599, %slice3A_600 in 1 : vector<250x32xf32>, vector<250x32xf32>, vector<250x32xf32>, vector<250x32xf32> -> vector<250x128xf32>
    %add3A_602 = vector.broadcast %broadcast_in_dim3A : vector<1x128xf32> to vector<250x128xf32>
    %add3A_603 = arith.addf %concatenate3A_601, %add3A_602 : vector<250x128xf32>
    %reduce_sum3A_604 = vector.shape_cast %add3A_596 : vector<250x128xf32> to vector<1x250x128xf32>
    %reduce_sum3A_605 = arith.constant dense<0.000000e+00> : vector<1xf32>
    %reduce_sum3A_606 = vector.multi_reduction <add>, %reduce_sum3A_604, %reduce_sum3A_605 [1, 2] : vector<1x250x128xf32> to vector<1xf32>
    %reduce_sum3A_607 = vector.shape_cast %reduce_sum3A_606 : vector<1xf32> to vector<1x1x1xf32>
    %reduce_sum3A_608 = vector.extract %reduce_sum3A_607[0, 0, 0] : f32 from vector<1x1x1xf32>
    %reduce_sum3A_609 = vector.shape_cast %add3A_603 : vector<250x128xf32> to vector<1x250x128xf32>
    %reduce_sum3A_610 = arith.constant dense<0.000000e+00> : vector<1xf32>
    %reduce_sum3A_611 = vector.multi_reduction <add>, %reduce_sum3A_609, %reduce_sum3A_610 [1, 2] : vector<1x250x128xf32> to vector<1xf32>
    %reduce_sum3A_612 = vector.shape_cast %reduce_sum3A_611 : vector<1xf32> to vector<1x1x1xf32>
    %reduce_sum3A_613 = vector.extract %reduce_sum3A_612[0, 0, 0] : f32 from vector<1x1x1xf32>
    %add3A_614 = arith.addf %reduce_sum3A_608, %reduce_sum3A_613 : f32
    %div3A_615 = arith.constant 6.400000e+04 : f32
    %div3A_616 = arith.divf %add3A_614, %div3A_615 : f32
    %sub3A_617 = vector.broadcast %div3A_616 : f32 to vector<250x128xf32>
    %sub3A_618 = arith.subf %add3A_596, %sub3A_617 : vector<250x128xf32>
    %sub3A_619 = vector.broadcast %div3A_616 : f32 to vector<250x128xf32>
    %sub3A_620 = arith.subf %add3A_603, %sub3A_619 : vector<250x128xf32>
    %mul3A_621 = arith.mulf %sub3A_618, %sub3A_618 : vector<250x128xf32>
    %reduce_sum3A_622 = vector.shape_cast %mul3A_621 : vector<250x128xf32> to vector<1x250x128xf32>
    %reduce_sum3A_623 = arith.constant dense<0.000000e+00> : vector<1xf32>
    %reduce_sum3A_624 = vector.multi_reduction <add>, %reduce_sum3A_622, %reduce_sum3A_623 [1, 2] : vector<1x250x128xf32> to vector<1xf32>
    %reduce_sum3A_625 = vector.shape_cast %reduce_sum3A_624 : vector<1xf32> to vector<1x1x1xf32>
    %reduce_sum3A_626 = vector.extract %reduce_sum3A_625[0, 0, 0] : f32 from vector<1x1x1xf32>
    %mul3A_627 = arith.mulf %sub3A_620, %sub3A_620 : vector<250x128xf32>
    %reduce_sum3A_628 = vector.shape_cast %mul3A_627 : vector<250x128xf32> to vector<1x250x128xf32>
    %reduce_sum3A_629 = arith.constant dense<0.000000e+00> : vector<1xf32>
    %reduce_sum3A_630 = vector.multi_reduction <add>, %reduce_sum3A_628, %reduce_sum3A_629 [1, 2] : vector<1x250x128xf32> to vector<1xf32>
    %reduce_sum3A_631 = vector.shape_cast %reduce_sum3A_630 : vector<1xf32> to vector<1x1x1xf32>
    %reduce_sum3A_632 = vector.extract %reduce_sum3A_631[0, 0, 0] : f32 from vector<1x1x1xf32>
    %add3A_633 = arith.addf %reduce_sum3A_626, %reduce_sum3A_632 : f32
    %div3A_634 = arith.constant 6.400000e+04 : f32
    %div3A_635 = arith.divf %add3A_633, %div3A_634 : f32
    %mul3A_636 = arith.constant 10 : i32
    %mul3A_637 = arith.muli %arg0, %mul3A_636 : i32
    %add3A_638 = arith.constant 5 : i32
    %add3A_639 = arith.addi %mul3A_637, %add3A_638 : i32
    %add3A_640 = arith.constant 9.99999974E-6 : f32
    %add3A_641 = arith.addf %div3A_635, %add3A_640 : f32
    %rsqrt3A_642 = math.rsqrt %add3A_641 : f32
    %get3A_643 = arith.index_cast %add3A_639 : i32 to index
    %get3A_644 = memref.load %arg4[%get3A_643] : memref<100xf32, #tpu.memory_space<smem>>
    %mul3A_645 = arith.mulf %rsqrt3A_642, %get3A_644 : f32
    %get3A_646 = arith.index_cast %add3A_639 : i32 to index
    %get3A_647 = memref.load %arg5[%get3A_646] : memref<100xf32, #tpu.memory_space<smem>>
    %mul3A_648 = vector.broadcast %mul3A_645 : f32 to vector<250x128xf32>
    %mul3A_649 = arith.mulf %sub3A_618, %mul3A_648 : vector<250x128xf32>
    %add3A_650 = vector.broadcast %get3A_647 : f32 to vector<250x128xf32>
    %add3A_651 = arith.addf %mul3A_649, %add3A_650 : vector<250x128xf32>
    %max3A_652 = arith.constant 0.000000e+00 : f32
    %max3A_653 = vector.broadcast %max3A_652 : f32 to vector<250x128xf32>
    %max3A_654 = arith.maximumf %add3A_651, %max3A_653 : vector<250x128xf32>
    %swap3A_655 = arith.constant 0 : index
    %swap3A_656 = arith.constant 5 : index
    %swap3A_657 = arith.constant 0 : index
    %swap3A_658 = arith.constant 0 : index
    %swap3A_659 = vector.load %arg7[%swap3A_655, %swap3A_656, %swap3A_657, %swap3A_658] : memref<2x10x250x128xf32, #tpu.memory_space<vmem>>, vector<1x1x250x128xf32>
    %swap3A_660 = vector.shape_cast %swap3A_659 : vector<1x1x250x128xf32> to vector<250x128xf32>
    %swap3A_661 = vector.shape_cast %max3A_654 : vector<250x128xf32> to vector<1x1x250x128xf32>
    tpu.vector_store %arg7[%swap3A_655, %swap3A_656, %swap3A_657, %swap3A_658], %swap3A_661 {strides = array<i32>} : memref<2x10x250x128xf32, #tpu.memory_space<vmem>>, vector<1x1x250x128xf32>,
    %mul3A_662 = vector.broadcast %mul3A_645 : f32 to vector<250x128xf32>
    %mul3A_663 = arith.mulf %sub3A_620, %mul3A_662 : vector<250x128xf32>
    %add3A_664 = vector.broadcast %get3A_647 : f32 to vector<250x128xf32>
    %add3A_665 = arith.addf %mul3A_663, %add3A_664 : vector<250x128xf32>
    %max3A_666 = arith.constant 0.000000e+00 : f32
    %max3A_667 = vector.broadcast %max3A_666 : f32 to vector<250x128xf32>
    %max3A_668 = arith.maximumf %add3A_665, %max3A_667 : vector<250x128xf32>
    %swap3A_669 = arith.constant 1 : index
    %swap3A_670 = arith.constant 5 : index
    %swap3A_671 = arith.constant 0 : index
    %swap3A_672 = arith.constant 0 : index
    %swap3A_673 = vector.load %arg7[%swap3A_669, %swap3A_670, %swap3A_671, %swap3A_672] : memref<2x10x250x128xf32, #tpu.memory_space<vmem>>, vector<1x1x250x128xf32>
    %swap3A_674 = vector.shape_cast %swap3A_673 : vector<1x1x250x128xf32> to vector<250x128xf32>
    %swap3A_675 = vector.shape_cast %max3A_668 : vector<250x128xf32> to vector<1x1x250x128xf32>
    tpu.vector_store %arg7[%swap3A_669, %swap3A_670, %swap3A_671, %swap3A_672], %swap3A_675 {strides = array<i32>} : memref<2x10x250x128xf32, #tpu.memory_space<vmem>>, vector<1x1x250x128xf32>,
    %slice3A_676 = vector.extract_strided_slice %dot_general3A_165 {offsets = [0, 384], sizes = [250, 32], strides = [1, 1]} : vector<1024x640xf32> to vector<250x32xf32>
    %slice3A_677 = vector.extract_strided_slice %dot_general3A_165 {offsets = [256, 384], sizes = [250, 32], strides = [1, 1]} : vector<1024x640xf32> to vector<250x32xf32>
    %slice3A_678 = vector.extract_strided_slice %dot_general3A_165 {offsets = [512, 384], sizes = [250, 32], strides = [1, 1]} : vector<1024x640xf32> to vector<250x32xf32>
    %slice3A_679 = vector.extract_strided_slice %dot_general3A_165 {offsets = [768, 384], sizes = [250, 32], strides = [1, 1]} : vector<1024x640xf32> to vector<250x32xf32>
    %concatenate3A_680 = tpu.concatenate %slice3A_676, %slice3A_677, %slice3A_678, %slice3A_679 in 1 : vector<250x32xf32>, vector<250x32xf32>, vector<250x32xf32>, vector<250x32xf32> -> vector<250x128xf32>
    %add3A_681 = vector.broadcast %broadcast_in_dim3A : vector<1x128xf32> to vector<250x128xf32>
    %add3A_682 = arith.addf %concatenate3A_680, %add3A_681 : vector<250x128xf32>
    %slice3A_683 = vector.extract_strided_slice %dot_general3A_165 {offsets = [0, 416], sizes = [250, 32], strides = [1, 1]} : vector<1024x640xf32> to vector<250x32xf32>
    %slice3A_684 = vector.extract_strided_slice %dot_general3A_165 {offsets = [256, 416], sizes = [250, 32], strides = [1, 1]} : vector<1024x640xf32> to vector<250x32xf32>
    %slice3A_685 = vector.extract_strided_slice %dot_general3A_165 {offsets = [512, 416], sizes = [250, 32], strides = [1, 1]} : vector<1024x640xf32> to vector<250x32xf32>
    %slice3A_686 = vector.extract_strided_slice %dot_general3A_165 {offsets = [768, 416], sizes = [250, 32], strides = [1, 1]} : vector<1024x640xf32> to vector<250x32xf32>
    %concatenate3A_687 = tpu.concatenate %slice3A_683, %slice3A_684, %slice3A_685, %slice3A_686 in 1 : vector<250x32xf32>, vector<250x32xf32>, vector<250x32xf32>, vector<250x32xf32> -> vector<250x128xf32>
    %add3A_688 = vector.broadcast %broadcast_in_dim3A : vector<1x128xf32> to vector<250x128xf32>
    %add3A_689 = arith.addf %concatenate3A_687, %add3A_688 : vector<250x128xf32>
    %reduce_sum3A_690 = vector.shape_cast %add3A_682 : vector<250x128xf32> to vector<1x250x128xf32>
    %reduce_sum3A_691 = arith.constant dense<0.000000e+00> : vector<1xf32>
    %reduce_sum3A_692 = vector.multi_reduction <add>, %reduce_sum3A_690, %reduce_sum3A_691 [1, 2] : vector<1x250x128xf32> to vector<1xf32>
    %reduce_sum3A_693 = vector.shape_cast %reduce_sum3A_692 : vector<1xf32> to vector<1x1x1xf32>
    %reduce_sum3A_694 = vector.extract %reduce_sum3A_693[0, 0, 0] : f32 from vector<1x1x1xf32>
    %reduce_sum3A_695 = vector.shape_cast %add3A_689 : vector<250x128xf32> to vector<1x250x128xf32>
    %reduce_sum3A_696 = arith.constant dense<0.000000e+00> : vector<1xf32>
    %reduce_sum3A_697 = vector.multi_reduction <add>, %reduce_sum3A_695, %reduce_sum3A_696 [1, 2] : vector<1x250x128xf32> to vector<1xf32>
    %reduce_sum3A_698 = vector.shape_cast %reduce_sum3A_697 : vector<1xf32> to vector<1x1x1xf32>
    %reduce_sum3A_699 = vector.extract %reduce_sum3A_698[0, 0, 0] : f32 from vector<1x1x1xf32>
    %add3A_700 = arith.addf %reduce_sum3A_694, %reduce_sum3A_699 : f32
    %div3A_701 = arith.constant 6.400000e+04 : f32
    %div3A_702 = arith.divf %add3A_700, %div3A_701 : f32
    %sub3A_703 = vector.broadcast %div3A_702 : f32 to vector<250x128xf32>
    %sub3A_704 = arith.subf %add3A_682, %sub3A_703 : vector<250x128xf32>
    %sub3A_705 = vector.broadcast %div3A_702 : f32 to vector<250x128xf32>
    %sub3A_706 = arith.subf %add3A_689, %sub3A_705 : vector<250x128xf32>
    %mul3A_707 = arith.mulf %sub3A_704, %sub3A_704 : vector<250x128xf32>
    %reduce_sum3A_708 = vector.shape_cast %mul3A_707 : vector<250x128xf32> to vector<1x250x128xf32>
    %reduce_sum3A_709 = arith.constant dense<0.000000e+00> : vector<1xf32>
    %reduce_sum3A_710 = vector.multi_reduction <add>, %reduce_sum3A_708, %reduce_sum3A_709 [1, 2] : vector<1x250x128xf32> to vector<1xf32>
    %reduce_sum3A_711 = vector.shape_cast %reduce_sum3A_710 : vector<1xf32> to vector<1x1x1xf32>
    %reduce_sum3A_712 = vector.extract %reduce_sum3A_711[0, 0, 0] : f32 from vector<1x1x1xf32>
    %mul3A_713 = arith.mulf %sub3A_706, %sub3A_706 : vector<250x128xf32>
    %reduce_sum3A_714 = vector.shape_cast %mul3A_713 : vector<250x128xf32> to vector<1x250x128xf32>
    %reduce_sum3A_715 = arith.constant dense<0.000000e+00> : vector<1xf32>
    %reduce_sum3A_716 = vector.multi_reduction <add>, %reduce_sum3A_714, %reduce_sum3A_715 [1, 2] : vector<1x250x128xf32> to vector<1xf32>
    %reduce_sum3A_717 = vector.shape_cast %reduce_sum3A_716 : vector<1xf32> to vector<1x1x1xf32>
    %reduce_sum3A_718 = vector.extract %reduce_sum3A_717[0, 0, 0] : f32 from vector<1x1x1xf32>
    %add3A_719 = arith.addf %reduce_sum3A_712, %reduce_sum3A_718 : f32
    %div3A_720 = arith.constant 6.400000e+04 : f32
    %div3A_721 = arith.divf %add3A_719, %div3A_720 : f32
    %mul3A_722 = arith.constant 10 : i32
    %mul3A_723 = arith.muli %arg0, %mul3A_722 : i32
    %add3A_724 = arith.constant 6 : i32
    %add3A_725 = arith.addi %mul3A_723, %add3A_724 : i32
    %add3A_726 = arith.constant 9.99999974E-6 : f32
    %add3A_727 = arith.addf %div3A_721, %add3A_726 : f32
    %rsqrt3A_728 = math.rsqrt %add3A_727 : f32
    %get3A_729 = arith.index_cast %add3A_725 : i32 to index
    %get3A_730 = memref.load %arg4[%get3A_729] : memref<100xf32, #tpu.memory_space<smem>>
    %mul3A_731 = arith.mulf %rsqrt3A_728, %get3A_730 : f32
    %get3A_732 = arith.index_cast %add3A_725 : i32 to index
    %get3A_733 = memref.load %arg5[%get3A_732] : memref<100xf32, #tpu.memory_space<smem>>
    %mul3A_734 = vector.broadcast %mul3A_731 : f32 to vector<250x128xf32>
    %mul3A_735 = arith.mulf %sub3A_704, %mul3A_734 : vector<250x128xf32>
    %add3A_736 = vector.broadcast %get3A_733 : f32 to vector<250x128xf32>
    %add3A_737 = arith.addf %mul3A_735, %add3A_736 : vector<250x128xf32>
    %max3A_738 = arith.constant 0.000000e+00 : f32
    %max3A_739 = vector.broadcast %max3A_738 : f32 to vector<250x128xf32>
    %max3A_740 = arith.maximumf %add3A_737, %max3A_739 : vector<250x128xf32>
    %swap3A_741 = arith.constant 0 : index
    %swap3A_742 = arith.constant 6 : index
    %swap3A_743 = arith.constant 0 : index
    %swap3A_744 = arith.constant 0 : index
    %swap3A_745 = vector.load %arg7[%swap3A_741, %swap3A_742, %swap3A_743, %swap3A_744] : memref<2x10x250x128xf32, #tpu.memory_space<vmem>>, vector<1x1x250x128xf32>
    %swap3A_746 = vector.shape_cast %swap3A_745 : vector<1x1x250x128xf32> to vector<250x128xf32>
    %swap3A_747 = vector.shape_cast %max3A_740 : vector<250x128xf32> to vector<1x1x250x128xf32>
    tpu.vector_store %arg7[%swap3A_741, %swap3A_742, %swap3A_743, %swap3A_744], %swap3A_747 {strides = array<i32>} : memref<2x10x250x128xf32, #tpu.memory_space<vmem>>, vector<1x1x250x128xf32>,
    %mul3A_748 = vector.broadcast %mul3A_731 : f32 to vector<250x128xf32>
    %mul3A_749 = arith.mulf %sub3A_706, %mul3A_748 : vector<250x128xf32>
    %add3A_750 = vector.broadcast %get3A_733 : f32 to vector<250x128xf32>
    %add3A_751 = arith.addf %mul3A_749, %add3A_750 : vector<250x128xf32>
    %max3A_752 = arith.constant 0.000000e+00 : f32
    %max3A_753 = vector.broadcast %max3A_752 : f32 to vector<250x128xf32>
    %max3A_754 = arith.maximumf %add3A_751, %max3A_753 : vector<250x128xf32>
    %swap3A_755 = arith.constant 1 : index
    %swap3A_756 = arith.constant 6 : index
    %swap3A_757 = arith.constant 0 : index
    %swap3A_758 = arith.constant 0 : index
    %swap3A_759 = vector.load %arg7[%swap3A_755, %swap3A_756, %swap3A_757, %swap3A_758] : memref<2x10x250x128xf32, #tpu.memory_space<vmem>>, vector<1x1x250x128xf32>
    %swap3A_760 = vector.shape_cast %swap3A_759 : vector<1x1x250x128xf32> to vector<250x128xf32>
    %swap3A_761 = vector.shape_cast %max3A_754 : vector<250x128xf32> to vector<1x1x250x128xf32>
    tpu.vector_store %arg7[%swap3A_755, %swap3A_756, %swap3A_757, %swap3A_758], %swap3A_761 {strides = array<i32>} : memref<2x10x250x128xf32, #tpu.memory_space<vmem>>, vector<1x1x250x128xf32>,
    %slice3A_762 = vector.extract_strided_slice %dot_general3A_165 {offsets = [0, 448], sizes = [250, 32], strides = [1, 1]} : vector<1024x640xf32> to vector<250x32xf32>
    %slice3A_763 = vector.extract_strided_slice %dot_general3A_165 {offsets = [256, 448], sizes = [250, 32], strides = [1, 1]} : vector<1024x640xf32> to vector<250x32xf32>
    %slice3A_764 = vector.extract_strided_slice %dot_general3A_165 {offsets = [512, 448], sizes = [250, 32], strides = [1, 1]} : vector<1024x640xf32> to vector<250x32xf32>
    %slice3A_765 = vector.extract_strided_slice %dot_general3A_165 {offsets = [768, 448], sizes = [250, 32], strides = [1, 1]} : vector<1024x640xf32> to vector<250x32xf32>
    %concatenate3A_766 = tpu.concatenate %slice3A_762, %slice3A_763, %slice3A_764, %slice3A_765 in 1 : vector<250x32xf32>, vector<250x32xf32>, vector<250x32xf32>, vector<250x32xf32> -> vector<250x128xf32>
    %add3A_767 = vector.broadcast %broadcast_in_dim3A : vector<1x128xf32> to vector<250x128xf32>
    %add3A_768 = arith.addf %concatenate3A_766, %add3A_767 : vector<250x128xf32>
    %slice3A_769 = vector.extract_strided_slice %dot_general3A_165 {offsets = [0, 480], sizes = [250, 32], strides = [1, 1]} : vector<1024x640xf32> to vector<250x32xf32>
    %slice3A_770 = vector.extract_strided_slice %dot_general3A_165 {offsets = [256, 480], sizes = [250, 32], strides = [1, 1]} : vector<1024x640xf32> to vector<250x32xf32>
    %slice3A_771 = vector.extract_strided_slice %dot_general3A_165 {offsets = [512, 480], sizes = [250, 32], strides = [1, 1]} : vector<1024x640xf32> to vector<250x32xf32>
    %slice3A_772 = vector.extract_strided_slice %dot_general3A_165 {offsets = [768, 480], sizes = [250, 32], strides = [1, 1]} : vector<1024x640xf32> to vector<250x32xf32>
    %concatenate3A_773 = tpu.concatenate %slice3A_769, %slice3A_770, %slice3A_771, %slice3A_772 in 1 : vector<250x32xf32>, vector<250x32xf32>, vector<250x32xf32>, vector<250x32xf32> -> vector<250x128xf32>
    %add3A_774 = vector.broadcast %broadcast_in_dim3A : vector<1x128xf32> to vector<250x128xf32>
    %add3A_775 = arith.addf %concatenate3A_773, %add3A_774 : vector<250x128xf32>
    %reduce_sum3A_776 = vector.shape_cast %add3A_768 : vector<250x128xf32> to vector<1x250x128xf32>
    %reduce_sum3A_777 = arith.constant dense<0.000000e+00> : vector<1xf32>
    %reduce_sum3A_778 = vector.multi_reduction <add>, %reduce_sum3A_776, %reduce_sum3A_777 [1, 2] : vector<1x250x128xf32> to vector<1xf32>
    %reduce_sum3A_779 = vector.shape_cast %reduce_sum3A_778 : vector<1xf32> to vector<1x1x1xf32>
    %reduce_sum3A_780 = vector.extract %reduce_sum3A_779[0, 0, 0] : f32 from vector<1x1x1xf32>
    %reduce_sum3A_781 = vector.shape_cast %add3A_775 : vector<250x128xf32> to vector<1x250x128xf32>
    %reduce_sum3A_782 = arith.constant dense<0.000000e+00> : vector<1xf32>
    %reduce_sum3A_783 = vector.multi_reduction <add>, %reduce_sum3A_781, %reduce_sum3A_782 [1, 2] : vector<1x250x128xf32> to vector<1xf32>
    %reduce_sum3A_784 = vector.shape_cast %reduce_sum3A_783 : vector<1xf32> to vector<1x1x1xf32>
    %reduce_sum3A_785 = vector.extract %reduce_sum3A_784[0, 0, 0] : f32 from vector<1x1x1xf32>
    %add3A_786 = arith.addf %reduce_sum3A_780, %reduce_sum3A_785 : f32
    %div3A_787 = arith.constant 6.400000e+04 : f32
    %div3A_788 = arith.divf %add3A_786, %div3A_787 : f32
    %sub3A_789 = vector.broadcast %div3A_788 : f32 to vector<250x128xf32>
    %sub3A_790 = arith.subf %add3A_768, %sub3A_789 : vector<250x128xf32>
    %sub3A_791 = vector.broadcast %div3A_788 : f32 to vector<250x128xf32>
    %sub3A_792 = arith.subf %add3A_775, %sub3A_791 : vector<250x128xf32>
    %mul3A_793 = arith.mulf %sub3A_790, %sub3A_790 : vector<250x128xf32>
    %reduce_sum3A_794 = vector.shape_cast %mul3A_793 : vector<250x128xf32> to vector<1x250x128xf32>
    %reduce_sum3A_795 = arith.constant dense<0.000000e+00> : vector<1xf32>
    %reduce_sum3A_796 = vector.multi_reduction <add>, %reduce_sum3A_794, %reduce_sum3A_795 [1, 2] : vector<1x250x128xf32> to vector<1xf32>
    %reduce_sum3A_797 = vector.shape_cast %reduce_sum3A_796 : vector<1xf32> to vector<1x1x1xf32>
    %reduce_sum3A_798 = vector.extract %reduce_sum3A_797[0, 0, 0] : f32 from vector<1x1x1xf32>
    %mul3A_799 = arith.mulf %sub3A_792, %sub3A_792 : vector<250x128xf32>
    %reduce_sum3A_800 = vector.shape_cast %mul3A_799 : vector<250x128xf32> to vector<1x250x128xf32>
    %reduce_sum3A_801 = arith.constant dense<0.000000e+00> : vector<1xf32>
    %reduce_sum3A_802 = vector.multi_reduction <add>, %reduce_sum3A_800, %reduce_sum3A_801 [1, 2] : vector<1x250x128xf32> to vector<1xf32>
    %reduce_sum3A_803 = vector.shape_cast %reduce_sum3A_802 : vector<1xf32> to vector<1x1x1xf32>
    %reduce_sum3A_804 = vector.extract %reduce_sum3A_803[0, 0, 0] : f32 from vector<1x1x1xf32>
    %add3A_805 = arith.addf %reduce_sum3A_798, %reduce_sum3A_804 : f32
    %div3A_806 = arith.constant 6.400000e+04 : f32
    %div3A_807 = arith.divf %add3A_805, %div3A_806 : f32
    %mul3A_808 = arith.constant 10 : i32
    %mul3A_809 = arith.muli %arg0, %mul3A_808 : i32
    %add3A_810 = arith.constant 7 : i32
    %add3A_811 = arith.addi %mul3A_809, %add3A_810 : i32
    %add3A_812 = arith.constant 9.99999974E-6 : f32
    %add3A_813 = arith.addf %div3A_807, %add3A_812 : f32
    %rsqrt3A_814 = math.rsqrt %add3A_813 : f32
    %get3A_815 = arith.index_cast %add3A_811 : i32 to index
    %get3A_816 = memref.load %arg4[%get3A_815] : memref<100xf32, #tpu.memory_space<smem>>
    %mul3A_817 = arith.mulf %rsqrt3A_814, %get3A_816 : f32
    %get3A_818 = arith.index_cast %add3A_811 : i32 to index
    %get3A_819 = memref.load %arg5[%get3A_818] : memref<100xf32, #tpu.memory_space<smem>>
    %mul3A_820 = vector.broadcast %mul3A_817 : f32 to vector<250x128xf32>
    %mul3A_821 = arith.mulf %sub3A_790, %mul3A_820 : vector<250x128xf32>
    %add3A_822 = vector.broadcast %get3A_819 : f32 to vector<250x128xf32>
    %add3A_823 = arith.addf %mul3A_821, %add3A_822 : vector<250x128xf32>
    %max3A_824 = arith.constant 0.000000e+00 : f32
    %max3A_825 = vector.broadcast %max3A_824 : f32 to vector<250x128xf32>
    %max3A_826 = arith.maximumf %add3A_823, %max3A_825 : vector<250x128xf32>
    %swap3A_827 = arith.constant 0 : index
    %swap3A_828 = arith.constant 7 : index
    %swap3A_829 = arith.constant 0 : index
    %swap3A_830 = arith.constant 0 : index
    %swap3A_831 = vector.load %arg7[%swap3A_827, %swap3A_828, %swap3A_829, %swap3A_830] : memref<2x10x250x128xf32, #tpu.memory_space<vmem>>, vector<1x1x250x128xf32>
    %swap3A_832 = vector.shape_cast %swap3A_831 : vector<1x1x250x128xf32> to vector<250x128xf32>
    %swap3A_833 = vector.shape_cast %max3A_826 : vector<250x128xf32> to vector<1x1x250x128xf32>
    tpu.vector_store %arg7[%swap3A_827, %swap3A_828, %swap3A_829, %swap3A_830], %swap3A_833 {strides = array<i32>} : memref<2x10x250x128xf32, #tpu.memory_space<vmem>>, vector<1x1x250x128xf32>,
    %mul3A_834 = vector.broadcast %mul3A_817 : f32 to vector<250x128xf32>
    %mul3A_835 = arith.mulf %sub3A_792, %mul3A_834 : vector<250x128xf32>
    %add3A_836 = vector.broadcast %get3A_819 : f32 to vector<250x128xf32>
    %add3A_837 = arith.addf %mul3A_835, %add3A_836 : vector<250x128xf32>
    %max3A_838 = arith.constant 0.000000e+00 : f32
    %max3A_839 = vector.broadcast %max3A_838 : f32 to vector<250x128xf32>
    %max3A_840 = arith.maximumf %add3A_837, %max3A_839 : vector<250x128xf32>
    %swap3A_841 = arith.constant 1 : index
    %swap3A_842 = arith.constant 7 : index
    %swap3A_843 = arith.constant 0 : index
    %swap3A_844 = arith.constant 0 : index
    %swap3A_845 = vector.load %arg7[%swap3A_841, %swap3A_842, %swap3A_843, %swap3A_844] : memref<2x10x250x128xf32, #tpu.memory_space<vmem>>, vector<1x1x250x128xf32>
    %swap3A_846 = vector.shape_cast %swap3A_845 : vector<1x1x250x128xf32> to vector<250x128xf32>
    %swap3A_847 = vector.shape_cast %max3A_840 : vector<250x128xf32> to vector<1x1x250x128xf32>
    tpu.vector_store %arg7[%swap3A_841, %swap3A_842, %swap3A_843, %swap3A_844], %swap3A_847 {strides = array<i32>} : memref<2x10x250x128xf32, #tpu.memory_space<vmem>>, vector<1x1x250x128xf32>,
    %slice3A_848 = vector.extract_strided_slice %dot_general3A_165 {offsets = [0, 512], sizes = [250, 32], strides = [1, 1]} : vector<1024x640xf32> to vector<250x32xf32>
    %slice3A_849 = vector.extract_strided_slice %dot_general3A_165 {offsets = [256, 512], sizes = [250, 32], strides = [1, 1]} : vector<1024x640xf32> to vector<250x32xf32>
    %slice3A_850 = vector.extract_strided_slice %dot_general3A_165 {offsets = [512, 512], sizes = [250, 32], strides = [1, 1]} : vector<1024x640xf32> to vector<250x32xf32>
    %slice3A_851 = vector.extract_strided_slice %dot_general3A_165 {offsets = [768, 512], sizes = [250, 32], strides = [1, 1]} : vector<1024x640xf32> to vector<250x32xf32>
    %concatenate3A_852 = tpu.concatenate %slice3A_848, %slice3A_849, %slice3A_850, %slice3A_851 in 1 : vector<250x32xf32>, vector<250x32xf32>, vector<250x32xf32>, vector<250x32xf32> -> vector<250x128xf32>
    %add3A_853 = vector.broadcast %broadcast_in_dim3A : vector<1x128xf32> to vector<250x128xf32>
    %add3A_854 = arith.addf %concatenate3A_852, %add3A_853 : vector<250x128xf32>
    %slice3A_855 = vector.extract_strided_slice %dot_general3A_165 {offsets = [0, 544], sizes = [250, 32], strides = [1, 1]} : vector<1024x640xf32> to vector<250x32xf32>
    %slice3A_856 = vector.extract_strided_slice %dot_general3A_165 {offsets = [256, 544], sizes = [250, 32], strides = [1, 1]} : vector<1024x640xf32> to vector<250x32xf32>
    %slice3A_857 = vector.extract_strided_slice %dot_general3A_165 {offsets = [512, 544], sizes = [250, 32], strides = [1, 1]} : vector<1024x640xf32> to vector<250x32xf32>
    %slice3A_858 = vector.extract_strided_slice %dot_general3A_165 {offsets = [768, 544], sizes = [250, 32], strides = [1, 1]} : vector<1024x640xf32> to vector<250x32xf32>
    %concatenate3A_859 = tpu.concatenate %slice3A_855, %slice3A_856, %slice3A_857, %slice3A_858 in 1 : vector<250x32xf32>, vector<250x32xf32>, vector<250x32xf32>, vector<250x32xf32> -> vector<250x128xf32>
    %add3A_860 = vector.broadcast %broadcast_in_dim3A : vector<1x128xf32> to vector<250x128xf32>
    %add3A_861 = arith.addf %concatenate3A_859, %add3A_860 : vector<250x128xf32>
    %reduce_sum3A_862 = vector.shape_cast %add3A_854 : vector<250x128xf32> to vector<1x250x128xf32>
    %reduce_sum3A_863 = arith.constant dense<0.000000e+00> : vector<1xf32>
    %reduce_sum3A_864 = vector.multi_reduction <add>, %reduce_sum3A_862, %reduce_sum3A_863 [1, 2] : vector<1x250x128xf32> to vector<1xf32>
    %reduce_sum3A_865 = vector.shape_cast %reduce_sum3A_864 : vector<1xf32> to vector<1x1x1xf32>
    %reduce_sum3A_866 = vector.extract %reduce_sum3A_865[0, 0, 0] : f32 from vector<1x1x1xf32>
    %reduce_sum3A_867 = vector.shape_cast %add3A_861 : vector<250x128xf32> to vector<1x250x128xf32>
    %reduce_sum3A_868 = arith.constant dense<0.000000e+00> : vector<1xf32>
    %reduce_sum3A_869 = vector.multi_reduction <add>, %reduce_sum3A_867, %reduce_sum3A_868 [1, 2] : vector<1x250x128xf32> to vector<1xf32>
    %reduce_sum3A_870 = vector.shape_cast %reduce_sum3A_869 : vector<1xf32> to vector<1x1x1xf32>
    %reduce_sum3A_871 = vector.extract %reduce_sum3A_870[0, 0, 0] : f32 from vector<1x1x1xf32>
    %add3A_872 = arith.addf %reduce_sum3A_866, %reduce_sum3A_871 : f32
    %div3A_873 = arith.constant 6.400000e+04 : f32
    %div3A_874 = arith.divf %add3A_872, %div3A_873 : f32
    %sub3A_875 = vector.broadcast %div3A_874 : f32 to vector<250x128xf32>
    %sub3A_876 = arith.subf %add3A_854, %sub3A_875 : vector<250x128xf32>
    %sub3A_877 = vector.broadcast %div3A_874 : f32 to vector<250x128xf32>
    %sub3A_878 = arith.subf %add3A_861, %sub3A_877 : vector<250x128xf32>
    %mul3A_879 = arith.mulf %sub3A_876, %sub3A_876 : vector<250x128xf32>
    %reduce_sum3A_880 = vector.shape_cast %mul3A_879 : vector<250x128xf32> to vector<1x250x128xf32>
    %reduce_sum3A_881 = arith.constant dense<0.000000e+00> : vector<1xf32>
    %reduce_sum3A_882 = vector.multi_reduction <add>, %reduce_sum3A_880, %reduce_sum3A_881 [1, 2] : vector<1x250x128xf32> to vector<1xf32>
    %reduce_sum3A_883 = vector.shape_cast %reduce_sum3A_882 : vector<1xf32> to vector<1x1x1xf32>
    %reduce_sum3A_884 = vector.extract %reduce_sum3A_883[0, 0, 0] : f32 from vector<1x1x1xf32>
    %mul3A_885 = arith.mulf %sub3A_878, %sub3A_878 : vector<250x128xf32>
    %reduce_sum3A_886 = vector.shape_cast %mul3A_885 : vector<250x128xf32> to vector<1x250x128xf32>
    %reduce_sum3A_887 = arith.constant dense<0.000000e+00> : vector<1xf32>
    %reduce_sum3A_888 = vector.multi_reduction <add>, %reduce_sum3A_886, %reduce_sum3A_887 [1, 2] : vector<1x250x128xf32> to vector<1xf32>
    %reduce_sum3A_889 = vector.shape_cast %reduce_sum3A_888 : vector<1xf32> to vector<1x1x1xf32>
    %reduce_sum3A_890 = vector.extract %reduce_sum3A_889[0, 0, 0] : f32 from vector<1x1x1xf32>
    %add3A_891 = arith.addf %reduce_sum3A_884, %reduce_sum3A_890 : f32
    %div3A_892 = arith.constant 6.400000e+04 : f32
    %div3A_893 = arith.divf %add3A_891, %div3A_892 : f32
    %mul3A_894 = arith.constant 10 : i32
    %mul3A_895 = arith.muli %arg0, %mul3A_894 : i32
    %add3A_896 = arith.constant 8 : i32
    %add3A_897 = arith.addi %mul3A_895, %add3A_896 : i32
    %add3A_898 = arith.constant 9.99999974E-6 : f32
    %add3A_899 = arith.addf %div3A_893, %add3A_898 : f32
    %rsqrt3A_900 = math.rsqrt %add3A_899 : f32
    %get3A_901 = arith.index_cast %add3A_897 : i32 to index
    %get3A_902 = memref.load %arg4[%get3A_901] : memref<100xf32, #tpu.memory_space<smem>>
    %mul3A_903 = arith.mulf %rsqrt3A_900, %get3A_902 : f32
    %get3A_904 = arith.index_cast %add3A_897 : i32 to index
    %get3A_905 = memref.load %arg5[%get3A_904] : memref<100xf32, #tpu.memory_space<smem>>
    %mul3A_906 = vector.broadcast %mul3A_903 : f32 to vector<250x128xf32>
    %mul3A_907 = arith.mulf %sub3A_876, %mul3A_906 : vector<250x128xf32>
    %add3A_908 = vector.broadcast %get3A_905 : f32 to vector<250x128xf32>
    %add3A_909 = arith.addf %mul3A_907, %add3A_908 : vector<250x128xf32>
    %max3A_910 = arith.constant 0.000000e+00 : f32
    %max3A_911 = vector.broadcast %max3A_910 : f32 to vector<250x128xf32>
    %max3A_912 = arith.maximumf %add3A_909, %max3A_911 : vector<250x128xf32>
    %swap3A_913 = arith.constant 0 : index
    %swap3A_914 = arith.constant 8 : index
    %swap3A_915 = arith.constant 0 : index
    %swap3A_916 = arith.constant 0 : index
    %swap3A_917 = vector.load %arg7[%swap3A_913, %swap3A_914, %swap3A_915, %swap3A_916] : memref<2x10x250x128xf32, #tpu.memory_space<vmem>>, vector<1x1x250x128xf32>
    %swap3A_918 = vector.shape_cast %swap3A_917 : vector<1x1x250x128xf32> to vector<250x128xf32>
    %swap3A_919 = vector.shape_cast %max3A_912 : vector<250x128xf32> to vector<1x1x250x128xf32>
    tpu.vector_store %arg7[%swap3A_913, %swap3A_914, %swap3A_915, %swap3A_916], %swap3A_919 {strides = array<i32>} : memref<2x10x250x128xf32, #tpu.memory_space<vmem>>, vector<1x1x250x128xf32>,
    %mul3A_920 = vector.broadcast %mul3A_903 : f32 to vector<250x128xf32>
    %mul3A_921 = arith.mulf %sub3A_878, %mul3A_920 : vector<250x128xf32>
    %add3A_922 = vector.broadcast %get3A_905 : f32 to vector<250x128xf32>
    %add3A_923 = arith.addf %mul3A_921, %add3A_922 : vector<250x128xf32>
    %max3A_924 = arith.constant 0.000000e+00 : f32
    %max3A_925 = vector.broadcast %max3A_924 : f32 to vector<250x128xf32>
    %max3A_926 = arith.maximumf %add3A_923, %max3A_925 : vector<250x128xf32>
    %swap3A_927 = arith.constant 1 : index
    %swap3A_928 = arith.constant 8 : index
    %swap3A_929 = arith.constant 0 : index
    %swap3A_930 = arith.constant 0 : index
    %swap3A_931 = vector.load %arg7[%swap3A_927, %swap3A_928, %swap3A_929, %swap3A_930] : memref<2x10x250x128xf32, #tpu.memory_space<vmem>>, vector<1x1x250x128xf32>
    %swap3A_932 = vector.shape_cast %swap3A_931 : vector<1x1x250x128xf32> to vector<250x128xf32>
    %swap3A_933 = vector.shape_cast %max3A_926 : vector<250x128xf32> to vector<1x1x250x128xf32>
    tpu.vector_store %arg7[%swap3A_927, %swap3A_928, %swap3A_929, %swap3A_930], %swap3A_933 {strides = array<i32>} : memref<2x10x250x128xf32, #tpu.memory_space<vmem>>, vector<1x1x250x128xf32>,
    %slice3A_934 = vector.extract_strided_slice %dot_general3A_165 {offsets = [0, 576], sizes = [250, 32], strides = [1, 1]} : vector<1024x640xf32> to vector<250x32xf32>
    %slice3A_935 = vector.extract_strided_slice %dot_general3A_165 {offsets = [256, 576], sizes = [250, 32], strides = [1, 1]} : vector<1024x640xf32> to vector<250x32xf32>
    %slice3A_936 = vector.extract_strided_slice %dot_general3A_165 {offsets = [512, 576], sizes = [250, 32], strides = [1, 1]} : vector<1024x640xf32> to vector<250x32xf32>
    %slice3A_937 = vector.extract_strided_slice %dot_general3A_165 {offsets = [768, 576], sizes = [250, 32], strides = [1, 1]} : vector<1024x640xf32> to vector<250x32xf32>
    %concatenate3A_938 = tpu.concatenate %slice3A_934, %slice3A_935, %slice3A_936, %slice3A_937 in 1 : vector<250x32xf32>, vector<250x32xf32>, vector<250x32xf32>, vector<250x32xf32> -> vector<250x128xf32>
    %add3A_939 = vector.broadcast %broadcast_in_dim3A : vector<1x128xf32> to vector<250x128xf32>
    %add3A_940 = arith.addf %concatenate3A_938, %add3A_939 : vector<250x128xf32>
    %slice3A_941 = vector.extract_strided_slice %dot_general3A_165 {offsets = [0, 608], sizes = [250, 32], strides = [1, 1]} : vector<1024x640xf32> to vector<250x32xf32>
    %slice3A_942 = vector.extract_strided_slice %dot_general3A_165 {offsets = [256, 608], sizes = [250, 32], strides = [1, 1]} : vector<1024x640xf32> to vector<250x32xf32>
    %slice3A_943 = vector.extract_strided_slice %dot_general3A_165 {offsets = [512, 608], sizes = [250, 32], strides = [1, 1]} : vector<1024x640xf32> to vector<250x32xf32>
    %slice3A_944 = vector.extract_strided_slice %dot_general3A_165 {offsets = [768, 608], sizes = [250, 32], strides = [1, 1]} : vector<1024x640xf32> to vector<250x32xf32>
    %concatenate3A_945 = tpu.concatenate %slice3A_941, %slice3A_942, %slice3A_943, %slice3A_944 in 1 : vector<250x32xf32>, vector<250x32xf32>, vector<250x32xf32>, vector<250x32xf32> -> vector<250x128xf32>
    %add3A_946 = vector.broadcast %broadcast_in_dim3A : vector<1x128xf32> to vector<250x128xf32>
    %add3A_947 = arith.addf %concatenate3A_945, %add3A_946 : vector<250x128xf32>
    %reduce_sum3A_948 = vector.shape_cast %add3A_940 : vector<250x128xf32> to vector<1x250x128xf32>
    %reduce_sum3A_949 = arith.constant dense<0.000000e+00> : vector<1xf32>
    %reduce_sum3A_950 = vector.multi_reduction <add>, %reduce_sum3A_948, %reduce_sum3A_949 [1, 2] : vector<1x250x128xf32> to vector<1xf32>
    %reduce_sum3A_951 = vector.shape_cast %reduce_sum3A_950 : vector<1xf32> to vector<1x1x1xf32>
    %reduce_sum3A_952 = vector.extract %reduce_sum3A_951[0, 0, 0] : f32 from vector<1x1x1xf32>
    %reduce_sum3A_953 = vector.shape_cast %add3A_947 : vector<250x128xf32> to vector<1x250x128xf32>
    %reduce_sum3A_954 = arith.constant dense<0.000000e+00> : vector<1xf32>
    %reduce_sum3A_955 = vector.multi_reduction <add>, %reduce_sum3A_953, %reduce_sum3A_954 [1, 2] : vector<1x250x128xf32> to vector<1xf32>
    %reduce_sum3A_956 = vector.shape_cast %reduce_sum3A_955 : vector<1xf32> to vector<1x1x1xf32>
    %reduce_sum3A_957 = vector.extract %reduce_sum3A_956[0, 0, 0] : f32 from vector<1x1x1xf32>
    %add3A_958 = arith.addf %reduce_sum3A_952, %reduce_sum3A_957 : f32
    %div3A_959 = arith.constant 6.400000e+04 : f32
    %div3A_960 = arith.divf %add3A_958, %div3A_959 : f32
    %sub3A_961 = vector.broadcast %div3A_960 : f32 to vector<250x128xf32>
    %sub3A_962 = arith.subf %add3A_940, %sub3A_961 : vector<250x128xf32>
    %sub3A_963 = vector.broadcast %div3A_960 : f32 to vector<250x128xf32>
    %sub3A_964 = arith.subf %add3A_947, %sub3A_963 : vector<250x128xf32>
    %mul3A_965 = arith.mulf %sub3A_962, %sub3A_962 : vector<250x128xf32>
    %reduce_sum3A_966 = vector.shape_cast %mul3A_965 : vector<250x128xf32> to vector<1x250x128xf32>
    %reduce_sum3A_967 = arith.constant dense<0.000000e+00> : vector<1xf32>
    %reduce_sum3A_968 = vector.multi_reduction <add>, %reduce_sum3A_966, %reduce_sum3A_967 [1, 2] : vector<1x250x128xf32> to vector<1xf32>
    %reduce_sum3A_969 = vector.shape_cast %reduce_sum3A_968 : vector<1xf32> to vector<1x1x1xf32>
    %reduce_sum3A_970 = vector.extract %reduce_sum3A_969[0, 0, 0] : f32 from vector<1x1x1xf32>
    %mul3A_971 = arith.mulf %sub3A_964, %sub3A_964 : vector<250x128xf32>
    %reduce_sum3A_972 = vector.shape_cast %mul3A_971 : vector<250x128xf32> to vector<1x250x128xf32>
    %reduce_sum3A_973 = arith.constant dense<0.000000e+00> : vector<1xf32>
    %reduce_sum3A_974 = vector.multi_reduction <add>, %reduce_sum3A_972, %reduce_sum3A_973 [1, 2] : vector<1x250x128xf32> to vector<1xf32>
    %reduce_sum3A_975 = vector.shape_cast %reduce_sum3A_974 : vector<1xf32> to vector<1x1x1xf32>
    %reduce_sum3A_976 = vector.extract %reduce_sum3A_975[0, 0, 0] : f32 from vector<1x1x1xf32>
    %add3A_977 = arith.addf %reduce_sum3A_970, %reduce_sum3A_976 : f32
    %div3A_978 = arith.constant 6.400000e+04 : f32
    %div3A_979 = arith.divf %add3A_977, %div3A_978 : f32
    %mul3A_980 = arith.constant 10 : i32
    %mul3A_981 = arith.muli %arg0, %mul3A_980 : i32
    %add3A_982 = arith.constant 9 : i32
    %add3A_983 = arith.addi %mul3A_981, %add3A_982 : i32
    %add3A_984 = arith.constant 9.99999974E-6 : f32
    %add3A_985 = arith.addf %div3A_979, %add3A_984 : f32
    %rsqrt3A_986 = math.rsqrt %add3A_985 : f32
    %get3A_987 = arith.index_cast %add3A_983 : i32 to index
    %get3A_988 = memref.load %arg4[%get3A_987] : memref<100xf32, #tpu.memory_space<smem>>
    %mul3A_989 = arith.mulf %rsqrt3A_986, %get3A_988 : f32
    %get3A_990 = arith.index_cast %add3A_983 : i32 to index
    %get3A_991 = memref.load %arg5[%get3A_990] : memref<100xf32, #tpu.memory_space<smem>>
    %mul3A_992 = vector.broadcast %mul3A_989 : f32 to vector<250x128xf32>
    %mul3A_993 = arith.mulf %sub3A_962, %mul3A_992 : vector<250x128xf32>
    %add3A_994 = vector.broadcast %get3A_991 : f32 to vector<250x128xf32>
    %add3A_995 = arith.addf %mul3A_993, %add3A_994 : vector<250x128xf32>
    %max3A_996 = arith.constant 0.000000e+00 : f32
    %max3A_997 = vector.broadcast %max3A_996 : f32 to vector<250x128xf32>
    %max3A_998 = arith.maximumf %add3A_995, %max3A_997 : vector<250x128xf32>
    %swap3A_999 = arith.constant 0 : index
    %swap3A_1000 = arith.constant 9 : index
    %swap3A_1001 = arith.constant 0 : index
    %swap3A_1002 = arith.constant 0 : index
    %swap3A_1003 = vector.load %arg7[%swap3A_999, %swap3A_1000, %swap3A_1001, %swap3A_1002] : memref<2x10x250x128xf32, #tpu.memory_space<vmem>>, vector<1x1x250x128xf32>
    %swap3A_1004 = vector.shape_cast %swap3A_1003 : vector<1x1x250x128xf32> to vector<250x128xf32>
    %swap3A_1005 = vector.shape_cast %max3A_998 : vector<250x128xf32> to vector<1x1x250x128xf32>
    tpu.vector_store %arg7[%swap3A_999, %swap3A_1000, %swap3A_1001, %swap3A_1002], %swap3A_1005 {strides = array<i32>} : memref<2x10x250x128xf32, #tpu.memory_space<vmem>>, vector<1x1x250x128xf32>,
    %mul3A_1006 = vector.broadcast %mul3A_989 : f32 to vector<250x128xf32>
    %mul3A_1007 = arith.mulf %sub3A_964, %mul3A_1006 : vector<250x128xf32>
    %add3A_1008 = vector.broadcast %get3A_991 : f32 to vector<250x128xf32>
    %add3A_1009 = arith.addf %mul3A_1007, %add3A_1008 : vector<250x128xf32>
    %max3A_1010 = arith.constant 0.000000e+00 : f32
    %max3A_1011 = vector.broadcast %max3A_1010 : f32 to vector<250x128xf32>
    %max3A_1012 = arith.maximumf %add3A_1009, %max3A_1011 : vector<250x128xf32>
    %swap3A_1013 = arith.constant 1 : index
    %swap3A_1014 = arith.constant 9 : index
    %swap3A_1015 = arith.constant 0 : index
    %swap3A_1016 = arith.constant 0 : index
    %swap3A_1017 = vector.load %arg7[%swap3A_1013, %swap3A_1014, %swap3A_1015, %swap3A_1016] : memref<2x10x250x128xf32, #tpu.memory_space<vmem>>, vector<1x1x250x128xf32>
    %swap3A_1018 = vector.shape_cast %swap3A_1017 : vector<1x1x250x128xf32> to vector<250x128xf32>
    %swap3A_1019 = vector.shape_cast %max3A_1012 : vector<250x128xf32> to vector<1x1x250x128xf32>
    tpu.vector_store %arg7[%swap3A_1013, %swap3A_1014, %swap3A_1015, %swap3A_1016], %swap3A_1019 {strides = array<i32>} : memref<2x10x250x128xf32, #tpu.memory_space<vmem>>, vector<1x1x250x128xf32>,
    return
  }
  func.func @transform_0(%arg0: i32) -> (i32, i32, i32, i32) {
    %c0_i32 = arith.constant 0 : i32
    %c0_i32_0 = arith.constant 0 : i32
    %c0_i32_1 = arith.constant 0 : i32
    %c0_i32_2 = arith.constant 0 : i32
    return %c0_i32, %arg0, %c0_i32_0, %c0_i32_1 : i32, i32, i32, i32
  }
  func.func @transform_1(%arg0: i32) -> (i32, i32) {
    %c0_i32 = arith.constant 0 : i32
    %c0_i32_0 = arith.constant 0 : i32
    %c0_i32_1 = arith.constant 0 : i32
    return %c0_i32, %c0_i32_0 : i32, i32
  }
  func.func @transform_2(%arg0: i32) -> i32 {
    %c0_i32 = arith.constant 0 : i32
    %c0_i32_0 = arith.constant 0 : i32
    return %c0_i32 : i32
  }
  func.func @transform_3(%arg0: i32) -> i32 {
    %c0_i32 = arith.constant 0 : i32
    %c0_i32_0 = arith.constant 0 : i32
    return %c0_i32 : i32
  }
  func.func @transform_4(%arg0: i32) -> i32 {
    %c0_i32 = arith.constant 0 : i32
    %c0_i32_0 = arith.constant 0 : i32
    return %c0_i32 : i32
  }
  func.func @transform_5(%arg0: i32) -> (i32, i32) {
    %c0_i32 = arith.constant 0 : i32
    %c0_i32_0 = arith.constant 0 : i32
    %c0_i32_1 = arith.constant 0 : i32
    return %c0_i32, %c0_i32_0 : i32, i32
  }
  func.func @transform_6(%arg0: i32) -> (i32, i32, i32, i32) {
    %c0_i32 = arith.constant 0 : i32
    %c0_i32_0 = arith.constant 0 : i32
    %c0_i32_1 = arith.constant 0 : i32
    %c0_i32_2 = arith.constant 0 : i32
    return %c0_i32, %arg0, %c0_i32_0, %c0_i32_1 : i32, i32, i32, i32
  }
}

</mosaic_0001>

<sc_bundles>
// kernel: kernel.5.cloned.1.call-start
scs
__scs_entry_jumppad:
0x0: {  	(pc) =	sbr.rel $0x88, $3  }
0x1: {  	(tag) =	ssettag $0x0;
	lr =	simm.s32 $0x1  }
0x2: {  	[smem:$0x3F9B] =	sst lr;
	_ =	strace $0xD0000000  }
0x3: {  	_ = 	snop  }
0x4: {  	_ = 	snop  }
0x5: {  	_ = 	snop  }
0x6: {  	_ = 	snop  }
0x7: {  	_ = 	snop  }
__scs_overlays_trampoline_lowered:
0x8: {  	[smem:$0x3FAA] =	sst s0  }
0x9: {  	[smem:$0x3FAB] =	sst s1  }
0xa: {  	[smem:$0x3FAC] =	sst s2  }
0xb: {  	[smem:$0x3FAD] =	sst s3  }
0xc: {  	[smem:$0x3FAE] =	sst s4  }
0xd: {  	[smem:$0x3FAF] =	sst s5  }
0xe: {  	[smem:$0x3FB0] =	sst s6  }
0xf: {  	[smem:$0x3FB1] =	sst s7  }
0x10: {  	[smem:$0x3FB2] =	sst s8  }
0x11: {  	[smem:$0x3FB3] =	sst s9;
	s0 =	simm.s32 @!p0 $0x0  }
0x12: {  	s1 =	sld [smem:$0x3F99];
	s0 =	simm.s32 @p0 $0x1  }
0x13: {  	[smem:$0x3FB4] =	sst s0;
	s0 =	simm.s32 @!p1 $0x0  }
0x14: {  	s2 =	sld [smem:$0x3F98];
	s0 =	simm.s32 @p1 $0x1  }
0x15: {  	[smem:$0x3FB5] =	sst s0;
	s0 =	simm.s32 @!p2 $0x0  }
0x16: {  	s3 =	sld [smem:$0x3FDB];
	s0 =	simm.s32 @p2 $0x1  }
0x17: {  	s4 =	simm.s32 $0x1BF5;
	[smem:$0x3FB7] =	sst s0  }
0x18: {  	s0 =	sld [smem:$0x3F9A];
	_ =	swait.ge [sflag:s4], $0x0  }
0x19: {  	s7 =	sld [smem:$0x3F9B]  }
0x1a: {  	s8 =	sadd.s32 $0xFFFFE003, lr  }
0x1b: {  	s9 =	sadd.s32 $0xFFFFFEF7, lr;
	s5 =	simm.s32 $0xFFFFFFFF;
	p2 =	slt.u32 s8, $0xFFFFF086  }
0x1c: {  	p1 =	slt.u32 s9, $0xF7A;
	s5 =	simm.s32 @!p2 $0x0  }
0x1d: {  	s5 =	simm.s32 @p1 $0x1;
	p0 =	seq.s32 s7, s2  }
0x1e: {  	s7 =	smul.u32 @!p0 $0xF7A, s2;
	p2 =	seq.s32 @!p0 s5, $0x0  }
0x1f: {  	s9 =	smul.u32 $0xF7A, s1;
	s8 =	simm.s32 @!p0 $0x1BF5;
	p2 =	por !p2, p0  }
0x20: {  	[sflag:s8] =	ssyncset.s32 @!p0 $0xFFFFF086;
	s6 =	sadd.s32 @!p0 s3, s7;
	s7 =	simm.s32 @!p0 $0x108  }
0x21: {  	s3 =	sadd.s32 s3, s9;
	s6 =	sadd.s32 @!p0 $0x88, s6;
	s7 =	simm.s32 @p2 $0x1082  }
0x22: {  	[simem:s7], [sflag:s8] =	dma.local @!p0 [hbm:s6], $0xF7A  }
0x23: {  	s9 =	sor.u32 $0xD0000000, s2;
	s6 =	simm.s32 $0x108;
	_ =	swait.ge @!p0 [sflag:s8], $0x0  }
0x24: {  	s3 =	sadd.s32 $0x88, s3;
	s6 =	simm.s32 @!p1 $0x1082;
	[sflag:s4] =	ssyncset.s32 $0xFFFFF086  }
0x25: {  	[simem:s6], [sflag:s4] =	dma.local [hbm:s3], $0xF7A  }
0x26: {  	[smem:$0x3F9B] =	sst s1;
	(tag) =	ssettag s2;
	_ =	strace s9  }
0x27: {  	s1 =	sld [smem:$0x3FAB]  }
0x28: {  	s2 =	sld [smem:$0x3FAC]  }
0x29: {  	s4 =	sld [smem:$0x3FAE]  }
0x2a: {  	p0 =	seq.s32 s5, $0x0;
	s5 =	sld [smem:$0x3FAF]  }
0x2b: {  	s6 =	sld [smem:$0x3FB0]  }
0x2c: {  	s7 =	sld [smem:$0x3FB1]  }
0x2d: {  	s3 =	simm.s32 $0x108;
	s8 =	sld [smem:$0x3FB2]  }
0x2e: {  	s3 =	simm.s32 @!p0 $0x1082;
	s9 =	sld [smem:$0x3FB3]  }
0x2f: {  	lr =	sadd.s32 s0, s3;
	s0 =	sld [smem:$0x3FAA]  }
0x30: {  	s3 =	sld [smem:$0x3FAD]  }
0x31: {  	[smem:$0x3FB6] =	sst s10  }
0x32: {  	s10 =	sld [smem:$0x3FB4];
	_ =	sdelay $0x3  }
0x33: {  	p0 =	seq.s32 s10, $0x1;
	s10 =	sld [smem:$0x3FB6];
	_ =	sdelay $0x3  }
0x34: {  	[smem:$0x3FB6] =	sst s10  }
0x35: {  	s10 =	sld [smem:$0x3FB5];
	_ =	sdelay $0x3  }
0x36: {  	p1 =	seq.s32 s10, $0x1;
	s10 =	sld [smem:$0x3FB6];
	_ =	sdelay $0x3  }
0x37: {  	[smem:$0x3FB6] =	sst s10  }
0x38: {  	s10 =	sld [smem:$0x3FB7]  }
0x39: {  	_ = 	snop;
	(pc) =	sbr.ind lr, $3  }
0x3a: {  	_ = 	snop  }
0x3b: {  	_ = 	snop  }
0x3c: {  	p2 =	seq.s32 s10, $0x1;
	s10 =	sld [smem:$0x3FB6]  }
0x3d: {  	_ =	shalt  }
0x3e: {  	_ =	shalt  }
0x3f: {  	_ =	shalt  }
0x40: {  	_ =	shalt  }
0x41: {  	_ =	shalt  }
0x42: {  	_ =	shalt  }
0x43: {  	_ =	shalt  }
0x44: {  	_ =	shalt  }
0x45: {  	_ =	shalt  }
0x46: {  	_ =	shalt  }
0x47: {  	_ =	shalt  }
0x48: {  	_ =	shalt  }
0x49: {  	_ =	shalt  }
0x4a: {  	_ =	shalt  }
0x4b: {  	_ =	shalt  }
0x4c: {  	_ =	shalt  }
0x4d: {  	_ =	shalt  }
0x4e: {  	_ =	shalt  }
0x4f: {  	_ =	shalt  }
0x50: {  	_ =	shalt  }
0x51: {  	_ =	shalt  }
0x52: {  	_ =	shalt  }
0x53: {  	_ =	shalt  }
0x54: {  	_ =	shalt  }
0x55: {  	_ =	shalt  }
0x56: {  	_ =	shalt  }
0x57: {  	_ =	shalt  }
0x58: {  	_ =	shalt  }
0x59: {  	_ =	shalt  }
0x5a: {  	_ =	shalt  }
0x5b: {  	_ =	shalt  }
0x5c: {  	_ =	shalt  }
0x5d: {  	_ =	shalt  }
0x5e: {  	_ =	shalt  }
0x5f: {  	_ =	shalt  }
0x60: {  	_ =	shalt  }
0x61: {  	_ =	shalt  }
0x62: {  	_ =	shalt  }
0x63: {  	_ =	shalt  }
0x64: {  	_ =	shalt  }
0x65: {  	_ =	shalt  }
0x66: {  	_ =	shalt  }
0x67: {  	_ =	shalt  }
0x68: {  	_ =	shalt  }
0x69: {  	_ =	shalt  }
0x6a: {  	_ =	shalt  }
0x6b: {  	_ =	shalt  }
0x6c: {  	_ =	shalt  }
0x6d: {  	_ =	shalt  }
0x6e: {  	_ =	shalt  }
0x6f: {  	_ =	shalt  }
0x70: {  	_ =	shalt  }
0x71: {  	_ =	shalt  }
0x72: {  	_ =	shalt  }
0x73: {  	_ =	shalt  }
0x74: {  	_ =	shalt  }
0x75: {  	_ =	shalt  }
0x76: {  	_ =	shalt  }
0x77: {  	_ =	shalt  }
0x78: {  	_ =	shalt  }
0x79: {  	_ =	shalt  }
0x7a: {  	_ =	shalt  }
0x7b: {  	_ =	shalt  }
0x7c: {  	_ =	shalt  }
0x7d: {  	_ =	shalt  }
0x7e: {  	_ =	shalt  }
0x7f: {  	_ =	shalt  }
0x80: {  	_ =	shalt  }
0x81: {  	_ =	shalt  }
0x82: {  	_ =	shalt  }
0x83: {  	_ =	shalt  }
0x84: {  	_ =	shalt  }
0x85: {  	_ =	shalt  }
0x86: {  	_ =	shalt  }
0x87: {  	_ =	shalt  }
.Lfunc_end0:
.L_simem_size_0:
called_computation_lowered:
.L_overlay_start_0:
0x88: {  	s2 =	sld [smem:$0x3FD9]  }
0x89: {  	s3 =	sld [smem:$0x3FFE];
	_ =	sdelay $0x1  }
0x8a: {  	s1 =	srdreg.scid  }
0x8b: {  	s0 =	sand.u32 $0x1, s1  }
0x8c: {  	s17 =	sshll.u32 s0, $0xA;
	s2 =	sadd.s32 s3, s2  }
0x8d: {  	s2 =	sadd.s32 s2, s17  }
0x8e: {  	[smem:$0x3FC2] =	sst s2  }
0x8f: {  	_ = 	snop  }
0x90: {  	s2 =	sld [smem:$0x3FD0];
	(tm) =	ssettm $0x1  }
0x91: {  	s18 =	sld [smem:$0x3FFB];
	_ =	sdelay $0x3  }
0x92: {  	_ =	strace s18  }
0x93: {  	s3 =	sld [smem:$0x3FFC];
	_ =	sdelay $0x3  }
0x94: {  	_ =	strace s3  }
0x95: {  	s3 =	sld [smem:$0x3FFD];
	_ =	sdelay $0x3  }
0x96: {  	_ =	strace s3  }
0x97: {  	_ =	strace $0x8FFFFFFF  }
0x98: {  	s19 =	sld [smem:$0x3FDB];
	_ =	sdelay $0x1  }
0x99: {  	s4 =	simm.s32 $_scs_section_size  }
0x9a: {  	s5 =	simm.s32 $_size__tile_overlayer_lowered;
	s6 =	simm.s32 $_tile_overlayer_lowered  }
0x9b: {  	s22 =	simm.s32 $0x1BFF;
	s21 =	sshll.u32 s6, $0x1;
	s3 =	sadd.s32 s4, s19  }
0x9c: {  	s7 =	simm.s32 $0x0;
	s20 =	sshll.u32 s5, $0x1;
	s5 =	sadd.s32 s21, s3  }
0x9d: {  	[timem:s7], [sflag:s22] =	dma.local [hbm:s5], s20  }
0x9e: {  	_ =	swait.ge [sflag:s22], s20  }
0x9f: {  	s4 =	ssub.s32 $0x0, s20;
	[sflag:s22] =	ssyncset.done $0x0  }
0xa0: {  	[sflag:s22] =	ssyncadd.s32 s4;
	_ =	sdelay $0x1  }
0xa1: {  	s23 =	simm.s32 $0x1B8B  }
0xa2: {  	_ =	swait.ge [sflag:s23], $0x1  }
0xa3: {  	[sflag:s23] =	ssyncset.done $0x0  }
0xa4: {  	s25 =	simm.s32 $0x1B8E;
	s24 =	sld [smem:$0x3FFE];
	[sflag:s23] =	ssyncadd.s32 $0xFFFFFFFF  }
0xa5: {  	s26 =	simm.s32 $execute0_lowered;
	[smem:$0x3FD2] =	sst s25  }
0xa6: {  	s5 =	sshll.u32 s26, $0x1;
	_ =	strace $0x80000046;
	[dreg:$0x1] =	wrdreg $0xFFFFFFFF  }
0xa7: {  	s28 =	simm.s32 $_size_execute0_lowered;
	s3 =	sadd.s32 s3, s5;
	[dreg:$0x0] =	wrdreg $0x0  }
0xa8: {  	s5 =	sshll.u32 s28, $0x1;
	[dreg:$0x2] =	wrdreg s3  }
0xa9: {  	[dreg:$0x3] =	wrdreg s5  }
0xaa: {  	[dreg:$0x4] =	wrdreg $0xC0  }
0xab: {  	_ =	task [dreg:s7], $0x5FFFF  }
0xac: {  	[dreg:$0x1] =	wrdreg $0xFFFFFFFF  }
0xad: {  	[dreg:$0x0] =	wrdreg $0x60  }
0xae: {  	[dreg:$0x2] =	wrdreg s24  }
0xaf: {  	[dreg:$0x3] =	wrdreg s2  }
0xb0: {  	[dreg:$0x4] =	wrdreg $0x88000  }
0xb1: {  	[dreg:$0x5] =	wrdreg $0x9  }
0xb2: {  	_ =	task.clear_ibuf [dreg:s7], $0x6FFFF;
	_ =	strace $0x90000046  }
0xb3: {  	s29 =	simm.s32 $0x9;
	_ =	strace $0x80000048  }
0xb4: {  	_ =	swait.ge [sflag:s29], $0x1  }
0xb5: {  	[sflag:s29] =	ssyncadd.s32 $0xFFFFFFFF  }
0xb6: {  	_ =	strace $0x90000048  }
0xb7: {  	_ =	sfence  }
0xb8: {  	s30 =	sld [smem:$0x0];
	_ =	sdelay $0x2  }
0xb9: {  	s31 =	sshll.u32 s1, $0xD;
	s1 =	sshrl.u32 s1, $0x2  }
0xba: {  	s3 =	sand.u32 $0x4000, s31;
	s1 =	sadd.s32 s1, s30  }
0xbb: {  	s0 =	sor.u32 s3, s0;
	s1 =	sshll.u32 s1, $0x11  }
0xbc: {  	s0 =	sor.u32 s1, s0  }
0xbd: {  	s0 =	sadd.s32 $0x8F2B, s0  }
0xbe: {  	[sflag:s0] =	ssyncadd.remote.s32 $0x1  }
0xbf: {  	_ =	sfence.sel $0xFFFF  }
0xc0: {  	[dreg:$0x0] =	wrdreg $0xFFFFFFFF;
	(pc) =	sbr.abs _section_cstart, $3  }
0xc1: {  	[dreg:$0x1] =	wrdreg $0xFFFFFFFF  }
0xc2: {  	_ =	task.clear_ibuf [dreg:s7], $0x2FFFF;
	_ =	strace $0x9FFFFFFF  }
0xc3: {  	(tm) =	ssettm $0x7FFFFFFF  }
tec
execute0_lowered:
.L_overlay_start_1:
0x0: {  	(tag) =	ssettag $0x1  }
0x1: {  	s4 =	rddreg [dreg:$0x0]  }
0x2: {  	s7 =	rddreg [dreg:$0x1]  }
0x3: {  	s2 =	rddreg [dreg:$0x2]  }
0x4: {  	s0 =	rddreg [dreg:$0x3];
	s5 =	srdreg.scid  }
0x5: {  	s3 =	simm.s32 $0x0;
	s1 =	stileid.u32;
	s13 =	simm.s32 $0x400  }
0x6: {  	s14 =	simm.s32 $0x1;
	s15 =	simm.s32 $0x800;
	s16 =	simm.s32 $0x2  }
0x7: {  	s17 =	simm.s32 $0x80;
	s18 =	simm.s32 $0x600;
	s19 =	simm.s32 $0x680  }
0x8: {  	s20 =	simm.s32 $0x480;
	s21 =	simm.s32 $0x700;
	s22 =	simm.s32 $0x500  }
0x9: {  	s23 =	simm.s32 $0x780;
	s24 =	simm.s32 $0x580;
	s25 =	simm.s32 $0x0  }
0xa: {  	s5 =	sand.u32 $0x1, s5;
	[smem:$0x7FF] =	sst s3;
	s8 =	sshll.u32 s1, $0x6  }
0xb: {  	s26 =	sshll.u32 s1, $0x10;
	s11 =	sshll.u32 s1, $0x7;
	s6 =	sshll.u32 s5, $0xA  }
0xc: {  	_ =	strace $0x80000047;
	s9 =	sshll.u32 s5, $0x14;
	s10 =	sand.u32 $0x80000, s26  }
0xd: {  	s5 =	ssub.s32 $0x2, s5;
	s28 =	sand.u32 $0x380, s11;
	s6 =	sor.u32 s8, s6  }
0xe: {  	s9 =	sor.u32 s9, s10;
	s30 =	sshrl.u32 s5, $0x1;
	s29 =	sadd.s32 s6, s4  }
0xf: {  	s31 =	sor.u32 s28, s9;
	s12 =	ssub.s32 s5, s30;
	s6 =	sadd.s32 s26, s2  }
0x10: {  	s4 =	sadd.s32 $0xE00, s29;
	s9 =	sshrl.u32 s31, $0x3;
	s5 =	sadd.s32 $0x600, s29  }
0x11: {  	s8 =	sadd.s32 $0x1600, s29;
	s11 =	smax.u32 s12, $0x1;
	s7 =	sadd.s32 s7, s9  }
0x12: {  	v0 =	vimm.f32 $0.0e+00;
	s12 =	simm.s32 $0x200;
	s9 =	sadd.s32 $0x8000, s6;
	s10 =	sadd.s32 $0x8000, s7  }
.LBB2_1:
0x13: {  	[tilespmem:s3], [sflag:$0x1] =	stream.linear.gather [hbm4b:s4+s3], $0x200, $0x38;
	[tilespmem:$0x18800] =	vst v63  }
0x14: {  	_ = 	snop  }
0x15: {  	[tilespmem:s12], [sflag:$0x1] =	stream.linear.gather [hbm4b:s5+s3], $0x200, $0x38;
	[tilespmem:$0x18800] =	vst v63  }
0x16: {  	s26 =	simm.s32 $0x40;
	s28 =	simm.s32 $0x0  }
0x17: {  	[tilespmem:s13], [sflag:$0x1] =	stream.linear.gather [hbm4b:s8+s3], $0x200, $0x38;
	[tilespmem:$0x18800] =	vst v63  }
.LBB2_2:
0x18: {  	p0 =	sne.s32 s26, $0x1FFC0;
	[tilespmem:s28+$0x800] =	vst v0;
	s28 =	smov.u32 s26;
	s26 =	sadd.s32 $0x40, s26  }
.Ltmp0:
0x19: {  	(pc) =	sbr.rel @p0 .LBB2_2-.Ltmp0, $2  }
0x1a: {  	_ =	sdelay $0x2  }
0x1b: {  	s28 =	sshra.s32 s28, $0x2  }
0x1c: {  	[tilespmem:s28+$0x800] =	vst v0  }
0x1d: {  	_ =	swait.ge [sflag:s14], $0x200  }
0x1e: {  	[sflag:s14] =	ssyncset.done $0x0  }
0x1f: {  	[sflag:s14] =	ssyncadd.s32 $0xFFFFFE00  }
0x20: {  	_ =	swait.ge [sflag:s14], $0x200  }
0x21: {  	[sflag:s14] =	ssyncset.done $0x0  }
0x22: {  	[sflag:s14] =	ssyncadd.s32 $0xFFFFFE00  }
0x23: {  	_ =	swait.ge [sflag:s14], $0x200  }
0x24: {  	[sflag:s14] =	ssyncset.done $0x0  }
0x25: {  	[sflag:s14] =	ssyncadd.s32 $0xFFFFFE00  }
0x26: {  	[spmem:s6] =	stream.linear.scatter [tilespmem:s15], [sflag:$0x2], $0x8000, $0x38;
	[tilespmem:$0x18800] =	vst v63  }
0x27: {  	_ =	swait.ge [sflag:s16], $0x8000  }
0x28: {  	[sflag:s16] =	ssyncset.done $0x0  }
0x29: {  	[sflag:s16] =	ssyncadd.s32 $0xFFFF8000  }
0x2a: {  	[spmem:s9] =	stream.linear.scatter [tilespmem:s15], [sflag:$0x2], $0x8000, $0x38;
	[tilespmem:$0x18800] =	vst v63  }
0x2b: {  	_ =	swait.ge [sflag:s16], $0x8000  }
0x2c: {  	[sflag:s16] =	ssyncset.done $0x0  }
0x2d: {  	[sflag:s16] =	ssyncadd.s32 $0xFFFF8000  }
0x2e: {  	v1 =	vld [tilespmem:$0x200]  }
0x2f: {  	v2 =	vld [tilespmem:$0x0]  }
0x30: {  	v3 =	vld [tilespmem:$0x210]  }
0x31: {  	v4 =	vld [tilespmem:$0x10]  }
0x32: {  	v5 =	vld [tilespmem:$0x220]  }
0x33: {  	v6 =	vld [tilespmem:$0x20]  }
0x34: {  	v7 =	vld [tilespmem:$0x230]  }
0x35: {  	v8 =	vld [tilespmem:$0x30]  }
0x36: {  	v9 =	vld [tilespmem:$0x240]  }
0x37: {  	v10 =	vld [tilespmem:$0x40]  }
0x38: {  	v11 =	vld [tilespmem:$0x250]  }
0x39: {  	v12 =	vld [tilespmem:$0x50]  }
0x3a: {  	v13 =	vld [tilespmem:$0x260]  }
0x3b: {  	v14 =	vld [tilespmem:$0x60]  }
0x3c: {  	v15 =	vld [tilespmem:$0x270]  }
0x3d: {  	v16 =	vld [tilespmem:$0x70]  }
0x3e: {  	v17 =	vld [tilespmem:$0x280]  }
0x3f: {  	v18 =	vld [tilespmem:$0x80]  }
0x40: {  	v19 =	vld [tilespmem:$0x290]  }
0x41: {  	v20 =	vld [tilespmem:$0x90]  }
0x42: {  	v21 =	vld [tilespmem:$0x2A0]  }
0x43: {  	v22 =	vld [tilespmem:$0xA0]  }
0x44: {  	v23 =	vld [tilespmem:$0x2B0]  }
0x45: {  	v24 =	vld [tilespmem:$0xB0]  }
0x46: {  	v25 =	vld [tilespmem:$0x2C0]  }
0x47: {  	v26 =	vld [tilespmem:$0xC0]  }
0x48: {  	v27 =	vld [tilespmem:$0x2D0]  }
0x49: {  	v28 =	vld [tilespmem:$0xD0]  }
0x4a: {  	v29 =	vld [tilespmem:$0x2E0]  }
0x4b: {  	v30 =	vld [tilespmem:$0xE0]  }
0x4c: {  	v31 =	vld [tilespmem:$0x2F0]  }
0x4d: {  	v32 =	vld [tilespmem:$0xF0]  }
0x4e: {  	v33 =	vld [tilespmem:$0x300]  }
0x4f: {  	v34 =	vld [tilespmem:$0x100]  }
0x50: {  	v35 =	vld [tilespmem:$0x310]  }
0x51: {  	v36 =	vld [tilespmem:$0x110]  }
0x52: {  	v37 =	vld [tilespmem:$0x320];
	v1 =	vshll.u32 v1, $0xA  }
0x53: {  	v39 =	vld [tilespmem:$0x330];
	v1 =	vadd.s32 v2, v1;
	v2 =	vshll.u32 v3, $0xA  }
0x54: {  	v40 =	vld [tilespmem:$0x130];
	[tilespmem:$0x600] =	vst v1;
	v1 =	vadd.s32 v4, v2;
	v2 =	vshll.u32 v5, $0xA  }
0x55: {  	v41 =	vld [tilespmem:$0x340];
	[tilespmem:$0x610] =	vst v1;
	v1 =	vadd.s32 v6, v2;
	v2 =	vshll.u32 v7, $0xA  }
0x56: {  	v42 =	vld [tilespmem:$0x140];
	[tilespmem:$0x620] =	vst v1;
	v1 =	vadd.s32 v8, v2;
	v2 =	vshll.u32 v9, $0xA  }
0x57: {  	v43 =	vld [tilespmem:$0x350];
	[tilespmem:$0x630] =	vst v1;
	v1 =	vadd.s32 v10, v2;
	v2 =	vshll.u32 v11, $0xA  }
0x58: {  	v44 =	vld [tilespmem:$0x150];
	[tilespmem:$0x640] =	vst v1;
	v1 =	vadd.s32 v12, v2;
	v2 =	vshll.u32 v13, $0xA  }
0x59: {  	v45 =	vld [tilespmem:$0x360];
	[tilespmem:$0x650] =	vst v1;
	v1 =	vadd.s32 v14, v2;
	v2 =	vshll.u32 v15, $0xA  }
0x5a: {  	v46 =	vld [tilespmem:$0x160];
	[tilespmem:$0x660] =	vst v1;
	v1 =	vadd.s32 v16, v2;
	v2 =	vshll.u32 v17, $0xA  }
0x5b: {  	v47 =	vld [tilespmem:$0x370];
	[tilespmem:$0x670] =	vst v1;
	v1 =	vadd.s32 v18, v2;
	v2 =	vshll.u32 v19, $0xA  }
0x5c: {  	v48 =	vld [tilespmem:$0x170];
	[tilespmem:$0x680] =	vst v1;
	v1 =	vadd.s32 v20, v2;
	v2 =	vshll.u32 v21, $0xA  }
0x5d: {  	v49 =	vld [tilespmem:$0x380];
	[tilespmem:$0x690] =	vst v1;
	v1 =	vadd.s32 v22, v2;
	v2 =	vshll.u32 v23, $0xA  }
0x5e: {  	v50 =	vld [tilespmem:$0x180];
	[tilespmem:$0x6A0] =	vst v1;
	v1 =	vadd.s32 v24, v2;
	v2 =	vshll.u32 v25, $0xA  }
0x5f: {  	v51 =	vld [tilespmem:$0x390];
	[tilespmem:$0x6B0] =	vst v1;
	v1 =	vadd.s32 v26, v2;
	v2 =	vshll.u32 v27, $0xA  }
0x60: {  	v3 =	vld [tilespmem:$0x120];
	[tilespmem:$0x6C0] =	vst v1;
	v1 =	vadd.s32 v28, v2;
	v2 =	vshll.u32 v29, $0xA  }
0x61: {  	v52 =	vld [tilespmem:$0x190];
	[tilespmem:$0x6D0] =	vst v1;
	v1 =	vadd.s32 v30, v2;
	v2 =	vshll.u32 v31, $0xA  }
0x62: {  	v53 =	vld [tilespmem:$0x3A0];
	[tilespmem:$0x6E0] =	vst v1;
	v1 =	vadd.s32 v32, v2;
	v2 =	vshll.u32 v33, $0xA  }
0x63: {  	v54 =	vld [tilespmem:$0x1A0];
	[tilespmem:$0x6F0] =	vst v1;
	v1 =	vadd.s32 v34, v2;
	v2 =	vshll.u32 v35, $0xA  }
0x64: {  	v55 =	vld [tilespmem:$0x3B0];
	[tilespmem:$0x700] =	vst v1;
	v1 =	vadd.s32 v36, v2;
	v2 =	vshll.u32 v37, $0xA  }
0x65: {  	v56 =	vld [tilespmem:$0x3C0];
	[tilespmem:$0x710] =	vst v1;
	v1 =	vadd.s32 v3, v2;
	v2 =	vshll.u32 v39, $0xA  }
0x66: {  	v57 =	vld [tilespmem:$0x1C0];
	[tilespmem:$0x720] =	vst v1;
	v1 =	vadd.s32 v40, v2;
	v2 =	vshll.u32 v41, $0xA  }
0x67: {  	v58 =	vld [tilespmem:$0x3D0];
	[tilespmem:$0x730] =	vst v1;
	v1 =	vadd.s32 v42, v2;
	v2 =	vshll.u32 v43, $0xA  }
0x68: {  	v59 =	vld [tilespmem:$0x1D0];
	[tilespmem:$0x740] =	vst v1;
	v1 =	vadd.s32 v44, v2;
	v2 =	vshll.u32 v45, $0xA  }
0x69: {  	v3 =	vld [tilespmem:$0x1B0];
	[tilespmem:$0x750] =	vst v1;
	v1 =	vadd.s32 v46, v2;
	v2 =	vshll.u32 v47, $0xA  }
0x6a: {  	v60 =	vld [tilespmem:$0x3E0];
	[tilespmem:$0x760] =	vst v1;
	v1 =	vadd.s32 v48, v2;
	v2 =	vshll.u32 v49, $0xA  }
0x6b: {  	v61 =	vld [tilespmem:$0x1E0];
	[tilespmem:$0x770] =	vst v1;
	v1 =	vadd.s32 v50, v2;
	v2 =	vshll.u32 v51, $0xA  }
0x6c: {  	v62 =	vld [tilespmem:$0x3F0];
	[tilespmem:$0x780] =	vst v1;
	v1 =	vadd.s32 v52, v2;
	v2 =	vshll.u32 v53, $0xA  }
0x6d: {  	v63 =	vld [tilespmem:$0x1F0];
	[tilespmem:$0x790] =	vst v1;
	v1 =	vadd.s32 v54, v2;
	v2 =	vshll.u32 v55, $0xA  }
0x6e: {  	[tilespmem:$0x7A0] =	vst v1;
	v1 =	vadd.s32 v3, v2;
	v2 =	vshll.u32 v56, $0xA  }
0x6f: {  	[tilespmem:$0x7B0] =	vst v1;
	v1 =	vadd.s32 v57, v2;
	v2 =	vshll.u32 v58, $0xA  }
0x70: {  	[tilespmem:$0x7C0] =	vst v1;
	v1 =	vadd.s32 v59, v2;
	v2 =	vshll.u32 v60, $0xA  }
0x71: {  	[tilespmem:$0x7D0] =	vst v1;
	v1 =	vadd.s32 v61, v2;
	v2 =	vshll.u32 v62, $0xA  }
0x72: {  	[tilespmem:$0x7E0] =	vst v1;
	v1 =	vadd.s32 v63, v2  }
0x73: {  	[tilespmem:$0x7F0] =	vst v1  }
0x74: {  	[bflag:$0x0] =	sbarrier.arrive $0xFFFF  }
0x75: {  	[spmem:s2] =	stream.indirect.scatter.add.f32 [tilespmem:s13], [sflag:$0x2], $0x1, s18, s17, $0xb8;
	[tilespmem:$0x18800] =	vst v63  }
0x76: {  	_ =	swait.ge [sflag:s16], $0x80  }
0x77: {  	[sflag:s16] =	ssyncset.done $0x0  }
0x78: {  	[sflag:s16] =	ssyncadd.s32 $0xFFFFFF80  }
0x79: {  	[spmem:s2] =	stream.indirect.scatter.add.f32 [tilespmem:s20], [sflag:$0x2], $0x1, s19, s17, $0xb8;
	[tilespmem:$0x18800] =	vst v63  }
0x7a: {  	_ =	swait.ge [sflag:s16], $0x80  }
0x7b: {  	[sflag:s16] =	ssyncset.done $0x0  }
0x7c: {  	[sflag:s16] =	ssyncadd.s32 $0xFFFFFF80  }
0x7d: {  	[spmem:s2] =	stream.indirect.scatter.add.f32 [tilespmem:s22], [sflag:$0x2], $0x1, s21, s17, $0xb8;
	[tilespmem:$0x18800] =	vst v63  }
0x7e: {  	_ =	swait.ge [sflag:s16], $0x80  }
0x7f: {  	[sflag:s16] =	ssyncset.done $0x0  }
0x80: {  	[sflag:s16] =	ssyncadd.s32 $0xFFFFFF80  }
0x81: {  	[spmem:s2] =	stream.indirect.scatter.add.f32 [tilespmem:s24], [sflag:$0x2], $0x1, s23, s17, $0xb8;
	[tilespmem:$0x18800] =	vst v63  }
0x82: {  	_ =	swait.ge [sflag:s16], $0x80  }
0x83: {  	[sflag:s16] =	ssyncset.done $0x0  }
0x84: {  	[sflag:s16] =	ssyncadd.s32 $0xFFFFFF80  }
0x85: {  	[bflag:$0x0] =	sbarrier.arrive $0xFFFF  }
0x86: {  	[tilespmem:s15], [sflag:$0x2] =	stream.linear.gather [spmem:s6], $0x8000, $0x38;
	[tilespmem:$0x18800] =	vst v63  }
0x87: {  	_ =	swait.ge [sflag:s16], $0x8000  }
0x88: {  	[sflag:s16] =	ssyncset.done $0x0  }
0x89: {  	[sflag:s16] =	ssyncadd.s32 $0xFFFF8000  }
0x8a: {  	[hbm4b:s7+s17] =	stream.strided.scatter [tilespmem:s15], [sflag:$0x2], $0x8000, s13, s17, $0x38;
	[tilespmem:$0x18800] =	vst v63  }
0x8b: {  	_ =	swait.ge [sflag:s16], $0x8000  }
0x8c: {  	[sflag:s16] =	ssyncset.done $0x0  }
0x8d: {  	[sflag:s16] =	ssyncadd.s32 $0xFFFF8000  }
0x8e: {  	[tilespmem:s15], [sflag:$0x2] =	stream.linear.gather [spmem:s9], $0x8000, $0x38;
	[tilespmem:$0x18800] =	vst v63  }
0x8f: {  	s25 =	sadd.s32 $0x1, s25;
	_ =	swait.ge [sflag:s16], $0x8000  }
0x90: {  	p0 =	sne.s32 s25, s11;
	[sflag:s16] =	ssyncset.done $0x0  }
.Ltmp1:
0x91: {  	[sflag:s16] =	ssyncadd.s32 $0xFFFF8000;
	(pc) =	sbr.rel @p0 .LBB2_1-.Ltmp1, $4  }
0x92: {  	[hbm4b:s10+s17] =	stream.strided.scatter [tilespmem:s15], [sflag:$0x2], $0x8000, s13, s17, $0x38;
	[tilespmem:$0x18800] =	vst v63  }
0x93: {  	_ =	swait.ge [sflag:s16], $0x8000  }
0x94: {  	[sflag:s16] =	ssyncset.done $0x0  }
0x95: {  	[sflag:s16] =	ssyncadd.s32 $0xFFFF8000  }
0x96: {  	_ =	sfence.sel $0x180000  }
0x97: {  	[bflag:$0x0] =	sbarrier.arrive $0xFFFF  }
0x98: {  	p0 =	sne.s32 s1, $0x0;
	_ =	strace $0x90000047  }
0x99: {  	s0 =	sadd.s32 @!p0 $0x100000, s0;
	[bflag:$0x2] =	sbarrier.arrive $0xFFFF  }
0x9a: {  	[sflag:s0] =	ssyncadd.tile.s32 @!p0 $0x1;
	_ =	shalt  }
.Lfunc_end2:
_tile_overlayer_lowered:
.L_overlay_start_2:
0x9b: {  	(tag) =	ssettag $0x2  }
0x9c: {  	s0 =	rddreg [dreg:$0x0];
	s2 =	stileid.u32  }
0x9d: {  	s1 =	rddreg [dreg:$0x1];
	p0 =	sne.s32 s2, $0x0  }
0x9e: {  	s3 =	rddreg [dreg:$0x2];
	[bflag:$0x3] =	sbarrier.arrive $0xFFFF;
	s2 =	simm.s32 @!p0 $0x1C02  }
0x9f: {  	[timem:s3], [sflag:s2] =	dma.local @!p0 [hbm:s0], s1  }
0xa0: {  	s0 =	simm.s32 @!p0 $0x2  }
0xa1: {  	_ =	swait.ge @!p0 [sflag:s0], s1  }
0xa2: {  	s1 =	ssub.s32 @!p0 $0x0, s1;
	[sflag:s0] =	ssyncset.done @!p0 $0x0  }
0xa3: {  	[sflag:s0] =	ssyncadd.s32 @!p0 s1  }
0xa4: {  	[bflag:$0x3] =	sbarrier.arrive $0xFFFF  }
0xa5: {  	_ =	shalt  }

</sc_bundles>
